<compile_context>
chip_gen: v7x
topology: tpu7x:2x2x1
jax: 0.10.2.dev20260603
libtpu: 0.0.44.dev20260713+nightly
codegen_flags: <defaults>
</compile_context>

<pallas_src>
import functools
import math

import jax
import jax.numpy as jnp
from jax.experimental import pallas as pl
from jax.experimental.pallas import tpu as pltpu

NC = 80
TOP_K = 10
ALPHA = 0.5
BETA = 6.0
EPS = 1e-09
IOU_EPS = 1e-07
M = 32


def _atan_pos(x):
    inv = x > 1.0
    t = jnp.where(inv, 1.0 / x, x)
    big = t > 0.41421356
    u = jnp.where(big, (t - 1.0) / (t + 1.0), t)
    z = u * u
    p = (((8.05374449538e-2 * z - 1.38776856032e-1) * z
          + 1.99777106478e-1) * z - 3.33329491539e-1) * z * u + u
    r = jnp.where(big, 0.7853981633974483 + p, p)
    return jnp.where(inv, 1.5707963267948966 - r, r)


def _assign_kernel(ps_ref, pbt_ref, anct_ref, gtl_ref, gtb_ref, mg_ref,
                   bbox_ref, scores_ref, fg_ref):
    A = ps_ref.shape[1]
    ps = ps_ref[0]
    pbt = pbt_ref[0]
    anct = anct_ref[...]
    gtl = gtl_ref[0]
    gtb = gtb_ref[0]
    mg = mg_ref[0]

    iota_a = jax.lax.broadcasted_iota(jnp.int32, (M, A), 1)
    iota_m = jax.lax.broadcasted_iota(jnp.int32, (M, A), 0)
    iota_c = jax.lax.broadcasted_iota(jnp.int32, (M, 128), 1)

    onehot_pad = (jnp.clip(gtl, 0, None) == iota_c).astype(jnp.float32)
    onehot_lab = onehot_pad[:, :NC]

    onehot_bf = onehot_lab.astype(jnp.bfloat16)
    ps_hi = ps.astype(jnp.bfloat16)
    ps_lo = (ps - ps_hi.astype(jnp.float32)).astype(jnp.bfloat16)
    dn_gather = (((1,), (1,)), ((), ()))
    bbox_scores_full = (
        jax.lax.dot_general(onehot_bf, ps_hi, dn_gather,
                            preferred_element_type=jnp.float32)
        + jax.lax.dot_general(onehot_bf, ps_lo, dn_gather,
                              preferred_element_type=jnp.float32))

    ax = anct[0:1, :]
    ay = anct[1:2, :]
    gx1 = gtb[:, 0:1]
    gy1 = gtb[:, 1:2]
    gx2 = gtb[:, 2:3]
    gy2 = gtb[:, 3:4]
    d1 = jnp.minimum(ax - gx1, ay - gy1)
    d2 = jnp.minimum(gx2 - ax, gy2 - ay)
    mask_in = jnp.minimum(d1, d2) > EPS
    mgb = mg > 0.0
    gt_mask = mask_in & mgb

    bbox_scores = jnp.where(gt_mask, bbox_scores_full, 0.0)

    px1 = pbt[0:1, :]
    py1 = pbt[1:2, :]
    px2 = pbt[2:3, :]
    py2 = pbt[3:4, :]
    w1 = gx2 - gx1
    h1 = gy2 - gy1 + IOU_EPS
    w2 = px2 - px1
    h2 = py2 - py1 + IOU_EPS
    iw = jnp.clip(jnp.minimum(gx2, px2) - jnp.maximum(gx1, px1), 0.0, None)
    ih = jnp.clip(jnp.minimum(gy2, py2) - jnp.maximum(gy1, py1), 0.0, None)
    inter = iw * ih
    union = w1 * h1 + w2 * h2 - inter + IOU_EPS
    iou = inter / union
    cw = jnp.maximum(gx2, px2) - jnp.minimum(gx1, px1)
    ch = jnp.maximum(gy2, py2) - jnp.minimum(gy1, py1)
    c2 = cw * cw + ch * ch + IOU_EPS
    rho2 = ((px1 + px2 - gx1 - gx2) ** 2 + (py1 + py2 - gy1 - gy2) ** 2) / 4.0
    atan_pd = _atan_pos(w2 / h2)
    atan_gt = _atan_pos(w1 / h1)
    dv = atan_pd - atan_gt
    v = (4.0 / (math.pi ** 2)) * dv * dv
    alpha_t = v / (v - iou + (1.0 + IOU_EPS))
    ciou = iou - (rho2 / c2 + v * alpha_t)

    overlaps = jnp.where(gt_mask, jnp.clip(ciou, 0.0, None), 0.0)

    sp_s = jnp.where(bbox_scores > 0.0,
                     jnp.sqrt(jnp.where(bbox_scores > 0.0, bbox_scores, 1.0)),
                     0.0)
    o2 = overlaps * overlaps
    sp_o = o2 * o2 * o2
    align = sp_s * sp_o

    work = align
    for _ in range(TOP_K):
        rowmax = jnp.max(work, axis=1, keepdims=True)
        cand = jnp.where(work == rowmax, iota_a, A)
        idx = jnp.min(cand, axis=1, keepdims=True)
        work = jnp.where(iota_a == idx, -1.0, work)
    sel = work < 0.0

    mask_pos0 = (sel & mask_in & mgb).astype(jnp.float32)

    fg0 = jnp.sum(mask_pos0, axis=0, keepdims=True)
    multi = fg0 > 1.0

    colmax = jnp.max(overlaps, axis=0, keepdims=True)
    candm = jnp.where(overlaps == colmax, iota_m, M)
    minm = jnp.min(candm, axis=0, keepdims=True)
    is_max = (iota_m == minm).astype(jnp.float32)

    mask_pos = jnp.where(multi, is_max, mask_pos0)
    fg = jnp.sum(mask_pos, axis=0, keepdims=True)

    candt = jnp.where(mask_pos > 0.0, iota_m, M)
    mint = jnp.min(candt, axis=0, keepdims=True)
    tgt = jnp.where(fg > 0.0, mint, 0)
    q = (iota_m == tgt).astype(jnp.float32)

    am = align * mask_pos
    pos_align = jnp.max(am, axis=1, keepdims=True)
    pos_ov = jnp.max(overlaps * mask_pos, axis=1, keepdims=True)
    scaled = am * (pos_ov / (pos_align + EPS))
    norm = jnp.max(scaled, axis=0, keepdims=True)
    normp = jnp.where(fg > 0.0, norm, 0.0)

    s = q * normp

    dn_scatter = (((0,), (0,)), ((), ()))
    scores_ref[0] = jax.lax.dot_general(
        s.astype(jnp.bfloat16), onehot_pad.astype(jnp.bfloat16), dn_scatter,
        preferred_element_type=jnp.float32)
    q_bf = q.astype(jnp.bfloat16)
    gtb_hi = gtb.astype(jnp.bfloat16)
    gtb_lo = (gtb - gtb_hi.astype(jnp.float32)).astype(jnp.bfloat16)
    bbox_ref[0] = (
        jax.lax.dot_general(q_bf, gtb_hi, dn_scatter,
                            preferred_element_type=jnp.float32)
        + jax.lax.dot_general(q_bf, gtb_lo, dn_scatter,
                              preferred_element_type=jnp.float32))
    fg_ref[0] = fg


@jax.jit
def kernel(pd_scores, pd_bboxes, anc_points, gt_labels, gt_bboxes, mask_gt):
    B, A, nc = pd_scores.shape
    m = gt_bboxes.shape[1]
    pbt = jnp.transpose(pd_bboxes, (0, 2, 1))
    anct = jnp.transpose(anc_points, (1, 0))
    gtl = gt_labels.reshape(B, m, 1).astype(jnp.int32)
    mg = mask_gt.reshape(B, m, 1).astype(jnp.float32)

    bbox, scores, fg = pl.pallas_call(
        _assign_kernel,
        grid=(B,),
        in_specs=[
            pl.BlockSpec((1, A, nc), lambda b: (b, 0, 0)),
            pl.BlockSpec((1, 4, A), lambda b: (b, 0, 0)),
            pl.BlockSpec((2, A), lambda b: (0, 0)),
            pl.BlockSpec((1, m, 1), lambda b: (b, 0, 0)),
            pl.BlockSpec((1, m, 4), lambda b: (b, 0, 0)),
            pl.BlockSpec((1, m, 1), lambda b: (b, 0, 0)),
        ],
        out_specs=[
            pl.BlockSpec((1, A, 4), lambda b: (b, 0, 0)),
            pl.BlockSpec((1, A, 128), lambda b: (b, 0, 0)),
            pl.BlockSpec((1, 1, A), lambda b: (b, 0, 0)),
        ],
        out_shape=[
            jax.ShapeDtypeStruct((B, A, 4), jnp.float32),
            jax.ShapeDtypeStruct((B, A, 128), jnp.float32),
            jax.ShapeDtypeStruct((B, 1, A), jnp.float32),
        ],
        compiler_params=pltpu.CompilerParams(
            dimension_semantics=("parallel",),
        ),
    )(pd_scores, pbt, anct, gtl, gt_bboxes, mg)

    return bbox, scores[..., :nc], fg.reshape(B, A) > 0.0

# --- scband reference (transcript-rebuilt; emitter-appended) ---
"""Pipeline reference for scband-compute-yolo-loss-47347719471131 (READ-ONLY COPY).

The authoritative reference and input builder live on the scoring server;
editing this copy changes nothing except your own understanding.
"""

import math
import jax
import jax.numpy as jnp
import numpy as np

NC = 80
TOP_K = 10
ALPHA = 0.5
BETA = 6.0
EPS = 1e-09
IMG = 640
STRIDES = (8, 16, 32)
B = 16
M = 32


def make_anchors():
    ancs = []
    for s in STRIDES:
        h = IMG // s
        w = IMG // s
        sx = jnp.arange(w, dtype=jnp.float32) + 0.5
        sy = jnp.arange(h, dtype=jnp.float32) + 0.5
        syy, sxx = jnp.meshgrid(sy, sx, indexing='ij')
        ancs.append(jnp.stack([sxx, syy], -1).reshape(-1, 2) * s)
    return jnp.concatenate(ancs, 0)


def setup_inputs(seed: int = 0):
    key = jax.random.key(seed)
    ks = jax.random.split(key, 6)
    anc = make_anchors()
    A = anc.shape[0]
    pd_scores = jax.random.uniform(ks[0], (B, A, NC), dtype=jnp.float32)
    c = jax.random.uniform(ks[1], (B, A, 2), minval=16.0, maxval=IMG - 16.0)
    wh = jax.random.uniform(ks[2], (B, A, 2), minval=8.0, maxval=192.0)
    pd_bboxes = jnp.concatenate([c - wh / 2, c + wh / 2], -1)
    gc = jax.random.uniform(ks[3], (B, M, 2), minval=64.0, maxval=IMG - 64.0)
    gwh = jax.random.uniform(ks[4], (B, M, 2), minval=16.0, maxval=160.0)
    gt_bboxes = jnp.concatenate([gc - gwh / 2, gc + gwh / 2], -1)
    gt_labels = jax.random.randint(ks[5], (B, M, 1), 0, NC)
    mask_gt = jnp.ones((B, M, 1), jnp.float32)
    return {'pd_scores': pd_scores, 'pd_bboxes': pd_bboxes, 'anc_points': anc, 'gt_labels': gt_labels, 'gt_bboxes': gt_bboxes, 'mask_gt': mask_gt}


def compute_iou(box1, box2, eps=1e-07):
    b1_x1, b1_y1, b1_x2, b1_y2 = jnp.split(box1, 4, axis=-1)
    b2_x1, b2_y1, b2_x2, b2_y2 = jnp.split(box2, 4, axis=-1)
    w1, h1 = b1_x2 - b1_x1, b1_y2 - b1_y1 + eps
    w2, h2 = b2_x2 - b2_x1, b2_y2 - b2_y1 + eps
    inter = jnp.clip(jnp.minimum(b1_x2, b2_x2) - jnp.maximum(b1_x1, b2_x1), 0.0, None) * jnp.clip(jnp.minimum(b1_y2, b2_y2) - jnp.maximum(b1_y1, b2_y1), 0.0, None)
    union = w1 * h1 + w2 * h2 - inter + eps
    iou = inter / union
    cw = jnp.maximum(b1_x2, b2_x2) - jnp.minimum(b1_x1, b2_x1)
    ch = jnp.maximum(b1_y2, b2_y2) - jnp.minimum(b1_y1, b2_y1)
    c2 = cw ** 2 + ch ** 2 + eps
    rho2 = ((b2_x1 + b2_x2 - b1_x1 - b1_x2) ** 2 + (b2_y1 + b2_y2 - b1_y1 - b1_y2) ** 2) / 4
    v = 4 / math.pi ** 2 * (jnp.arctan(w2 / h2) - jnp.arctan(w1 / h1)) ** 2
    alpha = jax.lax.stop_gradient(v / (v - iou + (1 + eps)))
    return iou - (rho2 / c2 + v * alpha)


def safe_pow(x, p):
    xs = jnp.where(x > 0, x, 1.0)
    return jnp.where(x > 0, xs ** p, 0.0)


def _assign(pd_scores, pd_bboxes, anc_points, gt_bboxes, mask_gt, gt_labels):
    B_, A_, NC_ = pd_scores.shape
    M_ = gt_bboxes.shape[1]
    gtb = gt_bboxes.reshape(-1, 1, 4)
    lt = gtb[..., :2]
    rb = gtb[..., 2:]
    deltas = jnp.concatenate([anc_points[None] - lt, rb - anc_points[None]], axis=2)
    mask_in_gts = deltas.reshape(B_, M_, A_, 4).min(axis=3) > EPS
    gt_mask = mask_in_gts & (mask_gt > 0)
    labels = gt_labels.reshape(B_, M_)
    bbox_scores_full = jnp.take_along_axis(jnp.transpose(pd_scores, (0, 2, 1)), labels[:, :, None], axis=1)
    bbox_scores = jnp.where(gt_mask, bbox_scores_full, 0.0)
    gt_boxes = jnp.broadcast_to(gt_bboxes[:, :, None, :], (B_, M_, A_, 4))
    pd_boxes = jnp.broadcast_to(pd_bboxes[:, None, :, :], (B_, M_, A_, 4))
    iou = compute_iou(gt_boxes, pd_boxes)[..., 0]
    overlaps = jnp.where(gt_mask, jnp.clip(iou, 0.0, None), 0.0)
    align_metric = safe_pow(bbox_scores, ALPHA) * safe_pow(overlaps, BETA)
    tk_vals, tk_idx = jax.lax.top_k(align_metric, TOP_K)
    tk_mask = jnp.broadcast_to(mask_gt > 0, (B_, M_, TOP_K))
    tk_idx = jnp.where(tk_mask, tk_idx, 0)
    flat_idx = tk_idx.reshape(B_ * M_, TOP_K)
    counts = jnp.zeros((B_ * M_, A_), jnp.int32).at[jnp.arange(B_ * M_)[:, None], flat_idx].add(1)
    counts = counts.reshape(B_, M_, A_)
    mask_top_k = jnp.where(counts > 1, 0, counts).astype(align_metric.dtype)
    mask_pos = mask_top_k * mask_in_gts.astype(align_metric.dtype) * mask_gt
    fg_mask = mask_pos.sum(axis=-2)
    mask_multi = jnp.broadcast_to(fg_mask[:, None, :] > 1, (B_, M_, A_))
    max_ov_idx = jnp.argmax(overlaps, axis=1)
    is_max = jax.nn.one_hot(max_ov_idx, M_, dtype=mask_pos.dtype, axis=1)
    mask_pos = jnp.where(mask_multi, is_max, mask_pos)
    fg_mask = mask_pos.sum(axis=-2)
    target_gt_idx = jnp.argmax(mask_pos, axis=-2)
    target_index = target_gt_idx + jnp.arange(B_)[:, None] * M_
    target_labels = jnp.clip(gt_labels.reshape(-1)[target_index], 0, None)
    target_bboxes = gt_bboxes.reshape(-1, 4)[target_index]
    target_scores = jax.nn.one_hot(target_labels, NC_, dtype=pd_scores.dtype)
    target_scores = jnp.where(fg_mask[:, :, None] > 0, target_scores, 0.0)
    am = align_metric * mask_pos
    pos_align = jnp.max(am, axis=-1, keepdims=True)
    pos_ov = jnp.max(overlaps * mask_pos, axis=-1, keepdims=True)
    norm_align = jnp.max(am * pos_ov / (pos_align + EPS), axis=-2)[..., None]
    target_scores = target_scores * norm_align
    return target_bboxes, target_scores, fg_mask > 0


def reference(pd_scores, pd_bboxes, anc_points, gt_labels, gt_bboxes, mask_gt):
    return _assign(pd_scores, pd_bboxes, anc_points, gt_bboxes, mask_gt, gt_labels)

if __name__ == "__main__":
    import jax
    _d = setup_inputs()
    print(jax.jit(kernel)(*tuple(_d.values())))

</pallas_src>

<mosaic_0001>
module attributes {stable_mosaic.version = 14 : i64} {
  func.func @_assign_kernel(%arg0: i32, %arg1: memref<1x8400x80xf32, #tpu.memory_space<vmem>>, %arg2: memref<1x4x8400xf32, #tpu.memory_space<vmem>>, %arg3: memref<2x8400xf32, #tpu.memory_space<vmem>>, %arg4: memref<1x32x1xi32, #tpu.memory_space<vmem>>, %arg5: memref<1x32x4xf32, #tpu.memory_space<vmem>>, %arg6: memref<1x32x1xf32, #tpu.memory_space<vmem>>, %arg7: memref<1x8400x4xf32, #tpu.memory_space<vmem>>, %arg8: memref<1x8400x128xf32, #tpu.memory_space<vmem>>, %arg9: memref<1x1x8400xf32, #tpu.memory_space<vmem>>) attributes {dimension_semantics = [#tpu.dimension_semantics<parallel>], iteration_bounds = array<i64: 16>, scalar_prefetch = 0 : i64, scratch_operands = 0 : i64, tpu.core_type = #tpu.core_type<tc>, window_params = [{transform_indices = @transform_0, window_bounds = array<i64: 1, 8400, 80>}, {transform_indices = @transform_1, window_bounds = array<i64: 1, 4, 8400>}, {pipeline_mode = #tpu.pipeline_mode<synchronous>, transform_indices = @transform_2, window_bounds = array<i64: 2, 8400>}, {transform_indices = @transform_3, window_bounds = array<i64: 1, 32, 1>}, {transform_indices = @transform_4, window_bounds = array<i64: 1, 32, 4>}, {transform_indices = @transform_5, window_bounds = array<i64: 1, 32, 1>}, {transform_indices = @transform_6, window_bounds = array<i64: 1, 8400, 4>}, {transform_indices = @transform_7, window_bounds = array<i64: 1, 8400, 128>}, {transform_indices = @transform_8, window_bounds = array<i64: 1, 1, 8400>}]} {
    %get3A = arith.constant 0 : index
    %get3A_0 = arith.constant 0 : index
    %get3A_1 = arith.constant 0 : index
    %get3A_2 = vector.load %arg1[%get3A, %get3A_0, %get3A_1] : memref<1x8400x80xf32, #tpu.memory_space<vmem>>, vector<1x8400x80xf32>
    %get3A_3 = vector.shape_cast %get3A_2 : vector<1x8400x80xf32> to vector<8400x80xf32>
    %get3A_4 = arith.constant 0 : index
    %get3A_5 = arith.constant 0 : index
    %get3A_6 = arith.constant 0 : index
    %get3A_7 = vector.load %arg2[%get3A_4, %get3A_5, %get3A_6] : memref<1x4x8400xf32, #tpu.memory_space<vmem>>, vector<1x4x8400xf32>
    %get3A_8 = vector.shape_cast %get3A_7 : vector<1x4x8400xf32> to vector<4x8400xf32>
    %get3A_9 = arith.constant 0 : index
    %get3A_10 = arith.constant 0 : index
    %get3A_11 = vector.load %arg3[%get3A_9, %get3A_10] : memref<2x8400xf32, #tpu.memory_space<vmem>>, vector<2x8400xf32>
    %get3A_12 = arith.constant 0 : index
    %get3A_13 = arith.constant 0 : index
    %get3A_14 = arith.constant 0 : index
    %get3A_15 = vector.load %arg4[%get3A_12, %get3A_13, %get3A_14] : memref<1x32x1xi32, #tpu.memory_space<vmem>>, vector<1x32x1xi32>
    %get3A_16 = vector.shape_cast %get3A_15 : vector<1x32x1xi32> to vector<32x1xi32>
    %get3A_17 = arith.constant 0 : index
    %get3A_18 = arith.constant 0 : index
    %get3A_19 = arith.constant 0 : index
    %get3A_20 = vector.load %arg5[%get3A_17, %get3A_18, %get3A_19] : memref<1x32x4xf32, #tpu.memory_space<vmem>>, vector<1x32x4xf32>
    %get3A_21 = vector.shape_cast %get3A_20 : vector<1x32x4xf32> to vector<32x4xf32>
    %get3A_22 = arith.constant 0 : index
    %get3A_23 = arith.constant 0 : index
    %get3A_24 = arith.constant 0 : index
    %get3A_25 = vector.load %arg6[%get3A_22, %get3A_23, %get3A_24] : memref<1x32x1xf32, #tpu.memory_space<vmem>>, vector<1x32x1xf32>
    %get3A_26 = vector.shape_cast %get3A_25 : vector<1x32x1xf32> to vector<32x1xf32>
    %iota3A = tpu.iota {dimensions = array<i32: 1>} : vector<32x8400xi32>
    %iota3A_27 = tpu.iota {dimensions = array<i32: 0>} : vector<32x8400xi32>
    %iota3A_28 = tpu.iota {dimensions = array<i32: 1>} : vector<32x128xi32>
    %jit3A = arith.constant 0 : i32
    %max3A = vector.broadcast %jit3A : i32 to vector<32x1xi32>
    %max3A_29 = arith.maxsi %max3A, %get3A_16 : vector<32x1xi32>
    %eq3A = vector.broadcast %max3A_29 : vector<32x1xi32> to vector<32x128xi32>
    %eq3A_30 = arith.cmpi eq, %eq3A, %iota3A_28 : vector<32x128xi32>
    %convert_element_type3A = arith.extui %eq3A_30 : vector<32x128xi1> to vector<32x128xi32>
    %convert_element_type3A_31 = arith.sitofp %convert_element_type3A : vector<32x128xi32> to vector<32x128xf32>
    %slice3A = vector.extract_strided_slice %convert_element_type3A_31 {offsets = [0, 0], sizes = [32, 80], strides = [1, 1]} : vector<32x128xf32> to vector<32x80xf32>
    %convert_element_type3A_32 = arith.truncf %slice3A : vector<32x80xf32> to vector<32x80xbf16>
    %convert_element_type3A_33 = arith.truncf %get3A_3 : vector<8400x80xf32> to vector<8400x80xbf16>
    %convert_element_type3A_34 = arith.extf %convert_element_type3A_33 : vector<8400x80xbf16> to vector<8400x80xf32>
    %sub3A = arith.subf %get3A_3, %convert_element_type3A_34 : vector<8400x80xf32>
    %convert_element_type3A_35 = arith.truncf %sub3A : vector<8400x80xf32> to vector<8400x80xbf16>
    %dot_general3A = arith.constant dense<0.000000e+00> : vector<32x8400xf32>
    %dot_general3A_36 = tpu.matmul %convert_element_type3A_32, %convert_element_type3A_33, %dot_general3A {dimension_numbers = #tpu.dot_dimension_numbers<[1], [1], [0], [0], [0, 0, 1, 0], [], []>, transpose_lhs_hint = false} : vector<32x80xbf16>, vector<8400x80xbf16>, vector<32x8400xf32> -> vector<32x8400xf32>
    %dot_general3A_37 = arith.constant dense<0.000000e+00> : vector<32x8400xf32>
    %dot_general3A_38 = tpu.matmul %convert_element_type3A_32, %convert_element_type3A_35, %dot_general3A_37 {dimension_numbers = #tpu.dot_dimension_numbers<[1], [1], [0], [0], [0, 0, 1, 0], [], []>, transpose_lhs_hint = false} : vector<32x80xbf16>, vector<8400x80xbf16>, vector<32x8400xf32> -> vector<32x8400xf32>
    %add3A = arith.addf %dot_general3A_36, %dot_general3A_38 : vector<32x8400xf32>
    %slice3A_39 = vector.extract_strided_slice %get3A_11 {offsets = [0, 0], sizes = [1, 8400], strides = [1, 1]} : vector<2x8400xf32> to vector<1x8400xf32>
    %slice3A_40 = vector.extract_strided_slice %get3A_11 {offsets = [1, 0], sizes = [1, 8400], strides = [1, 1]} : vector<2x8400xf32> to vector<1x8400xf32>
    %slice3A_41 = vector.extract_strided_slice %get3A_21 {offsets = [0, 0], sizes = [32, 1], strides = [1, 1]} : vector<32x4xf32> to vector<32x1xf32>
    %slice3A_42 = vector.extract_strided_slice %get3A_21 {offsets = [0, 1], sizes = [32, 1], strides = [1, 1]} : vector<32x4xf32> to vector<32x1xf32>
    %slice3A_43 = vector.extract_strided_slice %get3A_21 {offsets = [0, 2], sizes = [32, 1], strides = [1, 1]} : vector<32x4xf32> to vector<32x1xf32>
    %slice3A_44 = vector.extract_strided_slice %get3A_21 {offsets = [0, 3], sizes = [32, 1], strides = [1, 1]} : vector<32x4xf32> to vector<32x1xf32>
    %sub3A_45 = vector.broadcast %slice3A_39 : vector<1x8400xf32> to vector<32x8400xf32>
    %sub3A_46 = vector.broadcast %slice3A_41 : vector<32x1xf32> to vector<32x8400xf32>
    %sub3A_47 = arith.subf %sub3A_45, %sub3A_46 : vector<32x8400xf32>
    %sub3A_48 = vector.broadcast %slice3A_40 : vector<1x8400xf32> to vector<32x8400xf32>
    %sub3A_49 = vector.broadcast %slice3A_42 : vector<32x1xf32> to vector<32x8400xf32>
    %sub3A_50 = arith.subf %sub3A_48, %sub3A_49 : vector<32x8400xf32>
    %min3A = arith.minimumf %sub3A_47, %sub3A_50 : vector<32x8400xf32>
    %sub3A_51 = vector.broadcast %slice3A_43 : vector<32x1xf32> to vector<32x8400xf32>
    %sub3A_52 = vector.broadcast %slice3A_39 : vector<1x8400xf32> to vector<32x8400xf32>
    %sub3A_53 = arith.subf %sub3A_51, %sub3A_52 : vector<32x8400xf32>
    %sub3A_54 = vector.broadcast %slice3A_44 : vector<32x1xf32> to vector<32x8400xf32>
    %sub3A_55 = vector.broadcast %slice3A_40 : vector<1x8400xf32> to vector<32x8400xf32>
    %sub3A_56 = arith.subf %sub3A_54, %sub3A_55 : vector<32x8400xf32>
    %min3A_57 = arith.minimumf %sub3A_53, %sub3A_56 : vector<32x8400xf32>
    %min3A_58 = arith.minimumf %min3A, %min3A_57 : vector<32x8400xf32>
    %gt3A = arith.constant 9.99999971E-10 : f32
    %gt3A_59 = vector.broadcast %gt3A : f32 to vector<32x8400xf32>
    %gt3A_60 = arith.cmpf ogt, %min3A_58, %gt3A_59 : vector<32x8400xf32>
    %gt3A_61 = arith.constant 0.000000e+00 : f32
    %gt3A_62 = vector.broadcast %gt3A_61 : f32 to vector<32x1xf32>
    %gt3A_63 = arith.cmpf ogt, %get3A_26, %gt3A_62 : vector<32x1xf32>
    %and3A = vector.broadcast %gt3A_63 : vector<32x1xi1> to vector<32x8400xi1>
    %and3A_64 = arith.andi %gt3A_60, %and3A : vector<32x8400xi1>
    %jit3A_65 = arith.constant 0.000000e+00 : f32
    %broadcast_in_dim3A = vector.broadcast %jit3A_65 : f32 to vector<32x8400xf32>
    %select_n3A = arith.select %and3A_64, %add3A, %broadcast_in_dim3A : vector<32x8400xi1>, vector<32x8400xf32>
    %slice3A_66 = vector.extract_strided_slice %get3A_8 {offsets = [0, 0], sizes = [1, 8400], strides = [1, 1]} : vector<4x8400xf32> to vector<1x8400xf32>
    %slice3A_67 = vector.extract_strided_slice %get3A_8 {offsets = [1, 0], sizes = [1, 8400], strides = [1, 1]} : vector<4x8400xf32> to vector<1x8400xf32>
    %slice3A_68 = vector.extract_strided_slice %get3A_8 {offsets = [2, 0], sizes = [1, 8400], strides = [1, 1]} : vector<4x8400xf32> to vector<1x8400xf32>
    %slice3A_69 = vector.extract_strided_slice %get3A_8 {offsets = [3, 0], sizes = [1, 8400], strides = [1, 1]} : vector<4x8400xf32> to vector<1x8400xf32>
    %sub3A_70 = arith.subf %slice3A_43, %slice3A_41 : vector<32x1xf32>
    %sub3A_71 = arith.subf %slice3A_44, %slice3A_42 : vector<32x1xf32>
    %add3A_72 = arith.constant 1.000000e-07 : f32
    %add3A_73 = vector.broadcast %add3A_72 : f32 to vector<32x1xf32>
    %add3A_74 = arith.addf %sub3A_71, %add3A_73 : vector<32x1xf32>
    %sub3A_75 = arith.subf %slice3A_68, %slice3A_66 : vector<1x8400xf32>
    %sub3A_76 = arith.subf %slice3A_69, %slice3A_67 : vector<1x8400xf32>
    %add3A_77 = arith.constant 1.000000e-07 : f32
    %add3A_78 = vector.broadcast %add3A_77 : f32 to vector<1x8400xf32>
    %add3A_79 = arith.addf %sub3A_76, %add3A_78 : vector<1x8400xf32>
    %min3A_80 = vector.broadcast %slice3A_43 : vector<32x1xf32> to vector<32x8400xf32>
    %min3A_81 = vector.broadcast %slice3A_68 : vector<1x8400xf32> to vector<32x8400xf32>
    %min3A_82 = arith.minimumf %min3A_80, %min3A_81 : vector<32x8400xf32>
    %max3A_83 = vector.broadcast %slice3A_41 : vector<32x1xf32> to vector<32x8400xf32>
    %max3A_84 = vector.broadcast %slice3A_66 : vector<1x8400xf32> to vector<32x8400xf32>
    %max3A_85 = arith.maximumf %max3A_83, %max3A_84 : vector<32x8400xf32>
    %sub3A_86 = arith.subf %min3A_82, %max3A_85 : vector<32x8400xf32>
    %jit3A_87 = arith.constant 0.000000e+00 : f32
    %max3A_88 = vector.broadcast %jit3A_87 : f32 to vector<32x8400xf32>
    %max3A_89 = arith.maximumf %max3A_88, %sub3A_86 : vector<32x8400xf32>
    %min3A_90 = vector.broadcast %slice3A_44 : vector<32x1xf32> to vector<32x8400xf32>
    %min3A_91 = vector.broadcast %slice3A_69 : vector<1x8400xf32> to vector<32x8400xf32>
    %min3A_92 = arith.minimumf %min3A_90, %min3A_91 : vector<32x8400xf32>
    %max3A_93 = vector.broadcast %slice3A_42 : vector<32x1xf32> to vector<32x8400xf32>
    %max3A_94 = vector.broadcast %slice3A_67 : vector<1x8400xf32> to vector<32x8400xf32>
    %max3A_95 = arith.maximumf %max3A_93, %max3A_94 : vector<32x8400xf32>
    %sub3A_96 = arith.subf %min3A_92, %max3A_95 : vector<32x8400xf32>
    %jit3A_97 = arith.constant 0.000000e+00 : f32
    %max3A_98 = vector.broadcast %jit3A_97 : f32 to vector<32x8400xf32>
    %max3A_99 = arith.maximumf %max3A_98, %sub3A_96 : vector<32x8400xf32>
    %mul3A = arith.mulf %max3A_89, %max3A_99 : vector<32x8400xf32>
    %mul3A_100 = arith.mulf %sub3A_70, %add3A_74 : vector<32x1xf32>
    %mul3A_101 = arith.mulf %sub3A_75, %add3A_79 : vector<1x8400xf32>
    %add3A_102 = vector.broadcast %mul3A_100 : vector<32x1xf32> to vector<32x8400xf32>
    %add3A_103 = vector.broadcast %mul3A_101 : vector<1x8400xf32> to vector<32x8400xf32>
    %add3A_104 = arith.addf %add3A_102, %add3A_103 : vector<32x8400xf32>
    %sub3A_105 = arith.subf %add3A_104, %mul3A : vector<32x8400xf32>
    %add3A_106 = arith.constant 1.000000e-07 : f32
    %add3A_107 = vector.broadcast %add3A_106 : f32 to vector<32x8400xf32>
    %add3A_108 = arith.addf %sub3A_105, %add3A_107 : vector<32x8400xf32>
    %div3A = arith.divf %mul3A, %add3A_108 : vector<32x8400xf32>
    %max3A_109 = vector.broadcast %slice3A_43 : vector<32x1xf32> to vector<32x8400xf32>
    %max3A_110 = vector.broadcast %slice3A_68 : vector<1x8400xf32> to vector<32x8400xf32>
    %max3A_111 = arith.maximumf %max3A_109, %max3A_110 : vector<32x8400xf32>
    %min3A_112 = vector.broadcast %slice3A_41 : vector<32x1xf32> to vector<32x8400xf32>
    %min3A_113 = vector.broadcast %slice3A_66 : vector<1x8400xf32> to vector<32x8400xf32>
    %min3A_114 = arith.minimumf %min3A_112, %min3A_113 : vector<32x8400xf32>
    %sub3A_115 = arith.subf %max3A_111, %min3A_114 : vector<32x8400xf32>
    %max3A_116 = vector.broadcast %slice3A_44 : vector<32x1xf32> to vector<32x8400xf32>
    %max3A_117 = vector.broadcast %slice3A_69 : vector<1x8400xf32> to vector<32x8400xf32>
    %max3A_118 = arith.maximumf %max3A_116, %max3A_117 : vector<32x8400xf32>
    %min3A_119 = vector.broadcast %slice3A_42 : vector<32x1xf32> to vector<32x8400xf32>
    %min3A_120 = vector.broadcast %slice3A_67 : vector<1x8400xf32> to vector<32x8400xf32>
    %min3A_121 = arith.minimumf %min3A_119, %min3A_120 : vector<32x8400xf32>
    %sub3A_122 = arith.subf %max3A_118, %min3A_121 : vector<32x8400xf32>
    %mul3A_123 = arith.mulf %sub3A_115, %sub3A_115 : vector<32x8400xf32>
    %mul3A_124 = arith.mulf %sub3A_122, %sub3A_122 : vector<32x8400xf32>
    %add3A_125 = arith.addf %mul3A_123, %mul3A_124 : vector<32x8400xf32>
    %add3A_126 = arith.constant 1.000000e-07 : f32
    %add3A_127 = vector.broadcast %add3A_126 : f32 to vector<32x8400xf32>
    %add3A_128 = arith.addf %add3A_125, %add3A_127 : vector<32x8400xf32>
    %add3A_129 = arith.addf %slice3A_66, %slice3A_68 : vector<1x8400xf32>
    %sub3A_130 = vector.broadcast %add3A_129 : vector<1x8400xf32> to vector<32x8400xf32>
    %sub3A_131 = vector.broadcast %slice3A_41 : vector<32x1xf32> to vector<32x8400xf32>
    %sub3A_132 = arith.subf %sub3A_130, %sub3A_131 : vector<32x8400xf32>
    %sub3A_133 = vector.broadcast %slice3A_43 : vector<32x1xf32> to vector<32x8400xf32>
    %sub3A_134 = arith.subf %sub3A_132, %sub3A_133 : vector<32x8400xf32>
    %integer_pow3A = arith.mulf %sub3A_134, %sub3A_134 : vector<32x8400xf32>
    %add3A_135 = arith.addf %slice3A_67, %slice3A_69 : vector<1x8400xf32>
    %sub3A_136 = vector.broadcast %add3A_135 : vector<1x8400xf32> to vector<32x8400xf32>
    %sub3A_137 = vector.broadcast %slice3A_42 : vector<32x1xf32> to vector<32x8400xf32>
    %sub3A_138 = arith.subf %sub3A_136, %sub3A_137 : vector<32x8400xf32>
    %sub3A_139 = vector.broadcast %slice3A_44 : vector<32x1xf32> to vector<32x8400xf32>
    %sub3A_140 = arith.subf %sub3A_138, %sub3A_139 : vector<32x8400xf32>
    %integer_pow3A_141 = arith.mulf %sub3A_140, %sub3A_140 : vector<32x8400xf32>
    %add3A_142 = arith.addf %integer_pow3A, %integer_pow3A_141 : vector<32x8400xf32>
    %div3A_143 = arith.constant 4.000000e+00 : f32
    %div3A_144 = vector.broadcast %div3A_143 : f32 to vector<32x8400xf32>
    %div3A_145 = arith.divf %add3A_142, %div3A_144 : vector<32x8400xf32>
    %div3A_146 = arith.divf %sub3A_75, %add3A_79 : vector<1x8400xf32>
    %gt3A_147 = arith.constant 1.000000e+00 : f32
    %gt3A_148 = vector.broadcast %gt3A_147 : f32 to vector<1x8400xf32>
    %gt3A_149 = arith.cmpf ogt, %div3A_146, %gt3A_148 : vector<1x8400xf32>
    %div3A_150 = arith.constant 1.000000e+00 : f32
    %div3A_151 = vector.broadcast %div3A_150 : f32 to vector<1x8400xf32>
    %div3A_152 = arith.divf %div3A_151, %div3A_146 : vector<1x8400xf32>
    %select_n3A_153 = arith.select %gt3A_149, %div3A_152, %div3A_146 : vector<1x8400xi1>, vector<1x8400xf32>
    %gt3A_154 = arith.constant 0.414213568 : f32
    %gt3A_155 = vector.broadcast %gt3A_154 : f32 to vector<1x8400xf32>
    %gt3A_156 = arith.cmpf ogt, %select_n3A_153, %gt3A_155 : vector<1x8400xf32>
    %sub3A_157 = arith.constant 1.000000e+00 : f32
    %sub3A_158 = vector.broadcast %sub3A_157 : f32 to vector<1x8400xf32>
    %sub3A_159 = arith.subf %select_n3A_153, %sub3A_158 : vector<1x8400xf32>
    %add3A_160 = arith.constant 1.000000e+00 : f32
    %add3A_161 = vector.broadcast %add3A_160 : f32 to vector<1x8400xf32>
    %add3A_162 = arith.addf %select_n3A_153, %add3A_161 : vector<1x8400xf32>
    %div3A_163 = arith.divf %sub3A_159, %add3A_162 : vector<1x8400xf32>
    %select_n3A_164 = arith.select %gt3A_156, %div3A_163, %select_n3A_153 : vector<1x8400xi1>, vector<1x8400xf32>
    %mul3A_165 = arith.mulf %select_n3A_164, %select_n3A_164 : vector<1x8400xf32>
    %mul3A_166 = arith.constant 0.0805374458 : f32
    %mul3A_167 = vector.broadcast %mul3A_166 : f32 to vector<1x8400xf32>
    %mul3A_168 = arith.mulf %mul3A_167, %mul3A_165 : vector<1x8400xf32>
    %sub3A_169 = arith.constant 0.138776854 : f32
    %sub3A_170 = vector.broadcast %sub3A_169 : f32 to vector<1x8400xf32>
    %sub3A_171 = arith.subf %mul3A_168, %sub3A_170 : vector<1x8400xf32>
    %mul3A_172 = arith.mulf %sub3A_171, %mul3A_165 : vector<1x8400xf32>
    %add3A_173 = arith.constant 0.199777111 : f32
    %add3A_174 = vector.broadcast %add3A_173 : f32 to vector<1x8400xf32>
    %add3A_175 = arith.addf %mul3A_172, %add3A_174 : vector<1x8400xf32>
    %mul3A_176 = arith.mulf %add3A_175, %mul3A_165 : vector<1x8400xf32>
    %sub3A_177 = arith.constant 0.333329499 : f32
    %sub3A_178 = vector.broadcast %sub3A_177 : f32 to vector<1x8400xf32>
    %sub3A_179 = arith.subf %mul3A_176, %sub3A_178 : vector<1x8400xf32>
    %mul3A_180 = arith.mulf %sub3A_179, %mul3A_165 : vector<1x8400xf32>
    %mul3A_181 = arith.mulf %mul3A_180, %select_n3A_164 : vector<1x8400xf32>
    %add3A_182 = arith.addf %mul3A_181, %select_n3A_164 : vector<1x8400xf32>
    %add3A_183 = arith.constant 0.785398185 : f32
    %add3A_184 = vector.broadcast %add3A_183 : f32 to vector<1x8400xf32>
    %add3A_185 = arith.addf %add3A_184, %add3A_182 : vector<1x8400xf32>
    %select_n3A_186 = arith.select %gt3A_156, %add3A_185, %add3A_182 : vector<1x8400xi1>, vector<1x8400xf32>
    %sub3A_187 = arith.constant 1.57079637 : f32
    %sub3A_188 = vector.broadcast %sub3A_187 : f32 to vector<1x8400xf32>
    %sub3A_189 = arith.subf %sub3A_188, %select_n3A_186 : vector<1x8400xf32>
    %select_n3A_190 = arith.select %gt3A_149, %sub3A_189, %select_n3A_186 : vector<1x8400xi1>, vector<1x8400xf32>
    %div3A_191 = arith.divf %sub3A_70, %add3A_74 : vector<32x1xf32>
    %gt3A_192 = arith.constant 1.000000e+00 : f32
    %gt3A_193 = vector.broadcast %gt3A_192 : f32 to vector<32x1xf32>
    %gt3A_194 = arith.cmpf ogt, %div3A_191, %gt3A_193 : vector<32x1xf32>
    %div3A_195 = arith.constant 1.000000e+00 : f32
    %div3A_196 = vector.broadcast %div3A_195 : f32 to vector<32x1xf32>
    %div3A_197 = arith.divf %div3A_196, %div3A_191 : vector<32x1xf32>
    %select_n3A_198 = arith.select %gt3A_194, %div3A_197, %div3A_191 : vector<32x1xi1>, vector<32x1xf32>
    %gt3A_199 = arith.constant 0.414213568 : f32
    %gt3A_200 = vector.broadcast %gt3A_199 : f32 to vector<32x1xf32>
    %gt3A_201 = arith.cmpf ogt, %select_n3A_198, %gt3A_200 : vector<32x1xf32>
    %sub3A_202 = arith.constant 1.000000e+00 : f32
    %sub3A_203 = vector.broadcast %sub3A_202 : f32 to vector<32x1xf32>
    %sub3A_204 = arith.subf %select_n3A_198, %sub3A_203 : vector<32x1xf32>
    %add3A_205 = arith.constant 1.000000e+00 : f32
    %add3A_206 = vector.broadcast %add3A_205 : f32 to vector<32x1xf32>
    %add3A_207 = arith.addf %select_n3A_198, %add3A_206 : vector<32x1xf32>
    %div3A_208 = arith.divf %sub3A_204, %add3A_207 : vector<32x1xf32>
    %select_n3A_209 = arith.select %gt3A_201, %div3A_208, %select_n3A_198 : vector<32x1xi1>, vector<32x1xf32>
    %mul3A_210 = arith.mulf %select_n3A_209, %select_n3A_209 : vector<32x1xf32>
    %mul3A_211 = arith.constant 0.0805374458 : f32
    %mul3A_212 = vector.broadcast %mul3A_211 : f32 to vector<32x1xf32>
    %mul3A_213 = arith.mulf %mul3A_212, %mul3A_210 : vector<32x1xf32>
    %sub3A_214 = arith.constant 0.138776854 : f32
    %sub3A_215 = vector.broadcast %sub3A_214 : f32 to vector<32x1xf32>
    %sub3A_216 = arith.subf %mul3A_213, %sub3A_215 : vector<32x1xf32>
    %mul3A_217 = arith.mulf %sub3A_216, %mul3A_210 : vector<32x1xf32>
    %add3A_218 = arith.constant 0.199777111 : f32
    %add3A_219 = vector.broadcast %add3A_218 : f32 to vector<32x1xf32>
    %add3A_220 = arith.addf %mul3A_217, %add3A_219 : vector<32x1xf32>
    %mul3A_221 = arith.mulf %add3A_220, %mul3A_210 : vector<32x1xf32>
    %sub3A_222 = arith.constant 0.333329499 : f32
    %sub3A_223 = vector.broadcast %sub3A_222 : f32 to vector<32x1xf32>
    %sub3A_224 = arith.subf %mul3A_221, %sub3A_223 : vector<32x1xf32>
    %mul3A_225 = arith.mulf %sub3A_224, %mul3A_210 : vector<32x1xf32>
    %mul3A_226 = arith.mulf %mul3A_225, %select_n3A_209 : vector<32x1xf32>
    %add3A_227 = arith.addf %mul3A_226, %select_n3A_209 : vector<32x1xf32>
    %add3A_228 = arith.constant 0.785398185 : f32
    %add3A_229 = vector.broadcast %add3A_228 : f32 to vector<32x1xf32>
    %add3A_230 = arith.addf %add3A_229, %add3A_227 : vector<32x1xf32>
    %select_n3A_231 = arith.select %gt3A_201, %add3A_230, %add3A_227 : vector<32x1xi1>, vector<32x1xf32>
    %sub3A_232 = arith.constant 1.57079637 : f32
    %sub3A_233 = vector.broadcast %sub3A_232 : f32 to vector<32x1xf32>
    %sub3A_234 = arith.subf %sub3A_233, %select_n3A_231 : vector<32x1xf32>
    %select_n3A_235 = arith.select %gt3A_194, %sub3A_234, %select_n3A_231 : vector<32x1xi1>, vector<32x1xf32>
    %sub3A_236 = vector.broadcast %select_n3A_190 : vector<1x8400xf32> to vector<32x8400xf32>
    %sub3A_237 = vector.broadcast %select_n3A_235 : vector<32x1xf32> to vector<32x8400xf32>
    %sub3A_238 = arith.subf %sub3A_236, %sub3A_237 : vector<32x8400xf32>
    %mul3A_239 = arith.constant 0.405284733 : f32
    %mul3A_240 = vector.broadcast %mul3A_239 : f32 to vector<32x8400xf32>
    %mul3A_241 = arith.mulf %mul3A_240, %sub3A_238 : vector<32x8400xf32>
    %mul3A_242 = arith.mulf %mul3A_241, %sub3A_238 : vector<32x8400xf32>
    %sub3A_243 = arith.subf %mul3A_242, %div3A : vector<32x8400xf32>
    %add3A_244 = arith.constant 1.00000012 : f32
    %add3A_245 = vector.broadcast %add3A_244 : f32 to vector<32x8400xf32>
    %add3A_246 = arith.addf %sub3A_243, %add3A_245 : vector<32x8400xf32>
    %div3A_247 = arith.divf %mul3A_242, %add3A_246 : vector<32x8400xf32>
    %div3A_248 = arith.divf %div3A_145, %add3A_128 : vector<32x8400xf32>
    %mul3A_249 = arith.mulf %mul3A_242, %div3A_247 : vector<32x8400xf32>
    %add3A_250 = arith.addf %div3A_248, %mul3A_249 : vector<32x8400xf32>
    %sub3A_251 = arith.subf %div3A, %add3A_250 : vector<32x8400xf32>
    %jit3A_252 = arith.constant 0.000000e+00 : f32
    %max3A_253 = vector.broadcast %jit3A_252 : f32 to vector<32x8400xf32>
    %max3A_254 = arith.maximumf %max3A_253, %sub3A_251 : vector<32x8400xf32>
    %jit3A_255 = arith.constant 0.000000e+00 : f32
    %broadcast_in_dim3A_256 = vector.broadcast %jit3A_255 : f32 to vector<32x8400xf32>
    %select_n3A_257 = arith.select %and3A_64, %max3A_254, %broadcast_in_dim3A_256 : vector<32x8400xi1>, vector<32x8400xf32>
    %gt3A_258 = arith.constant 0.000000e+00 : f32
    %gt3A_259 = vector.broadcast %gt3A_258 : f32 to vector<32x8400xf32>
    %gt3A_260 = arith.cmpf ogt, %select_n3A, %gt3A_259 : vector<32x8400xf32>
    %gt3A_261 = arith.constant 0.000000e+00 : f32
    %gt3A_262 = vector.broadcast %gt3A_261 : f32 to vector<32x8400xf32>
    %gt3A_263 = arith.cmpf ogt, %select_n3A, %gt3A_262 : vector<32x8400xf32>
    %jit3A_264 = arith.constant 1.000000e+00 : f32
    %broadcast_in_dim3A_265 = vector.broadcast %jit3A_264 : f32 to vector<32x8400xf32>
    %select_n3A_266 = arith.select %gt3A_263, %select_n3A, %broadcast_in_dim3A_265 : vector<32x8400xi1>, vector<32x8400xf32>
    %sqrt3A = math.sqrt %select_n3A_266 : vector<32x8400xf32>
    %jit3A_267 = arith.constant 0.000000e+00 : f32
    %broadcast_in_dim3A_268 = vector.broadcast %jit3A_267 : f32 to vector<32x8400xf32>
    %select_n3A_269 = arith.select %gt3A_260, %sqrt3A, %broadcast_in_dim3A_268 : vector<32x8400xi1>, vector<32x8400xf32>
    %mul3A_270 = arith.mulf %select_n3A_257, %select_n3A_257 : vector<32x8400xf32>
    %mul3A_271 = arith.mulf %mul3A_270, %mul3A_270 : vector<32x8400xf32>
    %mul3A_272 = arith.mulf %mul3A_271, %mul3A_270 : vector<32x8400xf32>
    %mul3A_273 = arith.mulf %select_n3A_269, %mul3A_272 : vector<32x8400xf32>
    %reduce_max3A = arith.constant dense<0xFF800000> : vector<32xf32>
    %reduce_max3A_274 = vector.multi_reduction <maximumf>, %mul3A_273, %reduce_max3A [1] : vector<32x8400xf32> to vector<32xf32>
    %broadcast_in_dim3A_275 = vector.shape_cast %reduce_max3A_274 : vector<32xf32> to vector<32x1xf32>
    %eq3A_276 = vector.broadcast %broadcast_in_dim3A_275 : vector<32x1xf32> to vector<32x8400xf32>
    %eq3A_277 = arith.cmpf oeq, %mul3A_273, %eq3A_276 : vector<32x8400xf32>
    %jit3A_278 = arith.constant 8400 : i32
    %broadcast_in_dim3A_279 = vector.broadcast %jit3A_278 : i32 to vector<32x8400xi32>
    %select_n3A_280 = arith.select %eq3A_277, %iota3A, %broadcast_in_dim3A_279 : vector<32x8400xi1>, vector<32x8400xi32>
    %reduce_min3A = arith.constant dense<2147483647> : vector<32xi32>
    %reduce_min3A_281 = vector.multi_reduction <minsi>, %select_n3A_280, %reduce_min3A [1] : vector<32x8400xi32> to vector<32xi32>
    %broadcast_in_dim3A_282 = vector.shape_cast %reduce_min3A_281 : vector<32xi32> to vector<32x1xi32>
    %eq3A_283 = vector.broadcast %broadcast_in_dim3A_282 : vector<32x1xi32> to vector<32x8400xi32>
    %eq3A_284 = arith.cmpi eq, %iota3A, %eq3A_283 : vector<32x8400xi32>
    %jit3A_285 = arith.constant -1.000000e+00 : f32
    %broadcast_in_dim3A_286 = vector.broadcast %jit3A_285 : f32 to vector<32x8400xf32>
    %select_n3A_287 = arith.select %eq3A_284, %broadcast_in_dim3A_286, %mul3A_273 : vector<32x8400xi1>, vector<32x8400xf32>
    %reduce_max3A_288 = arith.constant dense<0xFF800000> : vector<32xf32>
    %reduce_max3A_289 = vector.multi_reduction <maximumf>, %select_n3A_287, %reduce_max3A_288 [1] : vector<32x8400xf32> to vector<32xf32>
    %broadcast_in_dim3A_290 = vector.shape_cast %reduce_max3A_289 : vector<32xf32> to vector<32x1xf32>
    %eq3A_291 = vector.broadcast %broadcast_in_dim3A_290 : vector<32x1xf32> to vector<32x8400xf32>
    %eq3A_292 = arith.cmpf oeq, %select_n3A_287, %eq3A_291 : vector<32x8400xf32>
    %jit3A_293 = arith.constant 8400 : i32
    %broadcast_in_dim3A_294 = vector.broadcast %jit3A_293 : i32 to vector<32x8400xi32>
    %select_n3A_295 = arith.select %eq3A_292, %iota3A, %broadcast_in_dim3A_294 : vector<32x8400xi1>, vector<32x8400xi32>
    %reduce_min3A_296 = arith.constant dense<2147483647> : vector<32xi32>
    %reduce_min3A_297 = vector.multi_reduction <minsi>, %select_n3A_295, %reduce_min3A_296 [1] : vector<32x8400xi32> to vector<32xi32>
    %broadcast_in_dim3A_298 = vector.shape_cast %reduce_min3A_297 : vector<32xi32> to vector<32x1xi32>
    %eq3A_299 = vector.broadcast %broadcast_in_dim3A_298 : vector<32x1xi32> to vector<32x8400xi32>
    %eq3A_300 = arith.cmpi eq, %iota3A, %eq3A_299 : vector<32x8400xi32>
    %jit3A_301 = arith.constant -1.000000e+00 : f32
    %broadcast_in_dim3A_302 = vector.broadcast %jit3A_301 : f32 to vector<32x8400xf32>
    %select_n3A_303 = arith.select %eq3A_300, %broadcast_in_dim3A_302, %select_n3A_287 : vector<32x8400xi1>, vector<32x8400xf32>
    %reduce_max3A_304 = arith.constant dense<0xFF800000> : vector<32xf32>
    %reduce_max3A_305 = vector.multi_reduction <maximumf>, %select_n3A_303, %reduce_max3A_304 [1] : vector<32x8400xf32> to vector<32xf32>
    %broadcast_in_dim3A_306 = vector.shape_cast %reduce_max3A_305 : vector<32xf32> to vector<32x1xf32>
    %eq3A_307 = vector.broadcast %broadcast_in_dim3A_306 : vector<32x1xf32> to vector<32x8400xf32>
    %eq3A_308 = arith.cmpf oeq, %select_n3A_303, %eq3A_307 : vector<32x8400xf32>
    %jit3A_309 = arith.constant 8400 : i32
    %broadcast_in_dim3A_310 = vector.broadcast %jit3A_309 : i32 to vector<32x8400xi32>
    %select_n3A_311 = arith.select %eq3A_308, %iota3A, %broadcast_in_dim3A_310 : vector<32x8400xi1>, vector<32x8400xi32>
    %reduce_min3A_312 = arith.constant dense<2147483647> : vector<32xi32>
    %reduce_min3A_313 = vector.multi_reduction <minsi>, %select_n3A_311, %reduce_min3A_312 [1] : vector<32x8400xi32> to vector<32xi32>
    %broadcast_in_dim3A_314 = vector.shape_cast %reduce_min3A_313 : vector<32xi32> to vector<32x1xi32>
    %eq3A_315 = vector.broadcast %broadcast_in_dim3A_314 : vector<32x1xi32> to vector<32x8400xi32>
    %eq3A_316 = arith.cmpi eq, %iota3A, %eq3A_315 : vector<32x8400xi32>
    %jit3A_317 = arith.constant -1.000000e+00 : f32
    %broadcast_in_dim3A_318 = vector.broadcast %jit3A_317 : f32 to vector<32x8400xf32>
    %select_n3A_319 = arith.select %eq3A_316, %broadcast_in_dim3A_318, %select_n3A_303 : vector<32x8400xi1>, vector<32x8400xf32>
    %reduce_max3A_320 = arith.constant dense<0xFF800000> : vector<32xf32>
    %reduce_max3A_321 = vector.multi_reduction <maximumf>, %select_n3A_319, %reduce_max3A_320 [1] : vector<32x8400xf32> to vector<32xf32>
    %broadcast_in_dim3A_322 = vector.shape_cast %reduce_max3A_321 : vector<32xf32> to vector<32x1xf32>
    %eq3A_323 = vector.broadcast %broadcast_in_dim3A_322 : vector<32x1xf32> to vector<32x8400xf32>
    %eq3A_324 = arith.cmpf oeq, %select_n3A_319, %eq3A_323 : vector<32x8400xf32>
    %jit3A_325 = arith.constant 8400 : i32
    %broadcast_in_dim3A_326 = vector.broadcast %jit3A_325 : i32 to vector<32x8400xi32>
    %select_n3A_327 = arith.select %eq3A_324, %iota3A, %broadcast_in_dim3A_326 : vector<32x8400xi1>, vector<32x8400xi32>
    %reduce_min3A_328 = arith.constant dense<2147483647> : vector<32xi32>
    %reduce_min3A_329 = vector.multi_reduction <minsi>, %select_n3A_327, %reduce_min3A_328 [1] : vector<32x8400xi32> to vector<32xi32>
    %broadcast_in_dim3A_330 = vector.shape_cast %reduce_min3A_329 : vector<32xi32> to vector<32x1xi32>
    %eq3A_331 = vector.broadcast %broadcast_in_dim3A_330 : vector<32x1xi32> to vector<32x8400xi32>
    %eq3A_332 = arith.cmpi eq, %iota3A, %eq3A_331 : vector<32x8400xi32>
    %jit3A_333 = arith.constant -1.000000e+00 : f32
    %broadcast_in_dim3A_334 = vector.broadcast %jit3A_333 : f32 to vector<32x8400xf32>
    %select_n3A_335 = arith.select %eq3A_332, %broadcast_in_dim3A_334, %select_n3A_319 : vector<32x8400xi1>, vector<32x8400xf32>
    %reduce_max3A_336 = arith.constant dense<0xFF800000> : vector<32xf32>
    %reduce_max3A_337 = vector.multi_reduction <maximumf>, %select_n3A_335, %reduce_max3A_336 [1] : vector<32x8400xf32> to vector<32xf32>
    %broadcast_in_dim3A_338 = vector.shape_cast %reduce_max3A_337 : vector<32xf32> to vector<32x1xf32>
    %eq3A_339 = vector.broadcast %broadcast_in_dim3A_338 : vector<32x1xf32> to vector<32x8400xf32>
    %eq3A_340 = arith.cmpf oeq, %select_n3A_335, %eq3A_339 : vector<32x8400xf32>
    %jit3A_341 = arith.constant 8400 : i32
    %broadcast_in_dim3A_342 = vector.broadcast %jit3A_341 : i32 to vector<32x8400xi32>
    %select_n3A_343 = arith.select %eq3A_340, %iota3A, %broadcast_in_dim3A_342 : vector<32x8400xi1>, vector<32x8400xi32>
    %reduce_min3A_344 = arith.constant dense<2147483647> : vector<32xi32>
    %reduce_min3A_345 = vector.multi_reduction <minsi>, %select_n3A_343, %reduce_min3A_344 [1] : vector<32x8400xi32> to vector<32xi32>
    %broadcast_in_dim3A_346 = vector.shape_cast %reduce_min3A_345 : vector<32xi32> to vector<32x1xi32>
    %eq3A_347 = vector.broadcast %broadcast_in_dim3A_346 : vector<32x1xi32> to vector<32x8400xi32>
    %eq3A_348 = arith.cmpi eq, %iota3A, %eq3A_347 : vector<32x8400xi32>
    %jit3A_349 = arith.constant -1.000000e+00 : f32
    %broadcast_in_dim3A_350 = vector.broadcast %jit3A_349 : f32 to vector<32x8400xf32>
    %select_n3A_351 = arith.select %eq3A_348, %broadcast_in_dim3A_350, %select_n3A_335 : vector<32x8400xi1>, vector<32x8400xf32>
    %reduce_max3A_352 = arith.constant dense<0xFF800000> : vector<32xf32>
    %reduce_max3A_353 = vector.multi_reduction <maximumf>, %select_n3A_351, %reduce_max3A_352 [1] : vector<32x8400xf32> to vector<32xf32>
    %broadcast_in_dim3A_354 = vector.shape_cast %reduce_max3A_353 : vector<32xf32> to vector<32x1xf32>
    %eq3A_355 = vector.broadcast %broadcast_in_dim3A_354 : vector<32x1xf32> to vector<32x8400xf32>
    %eq3A_356 = arith.cmpf oeq, %select_n3A_351, %eq3A_355 : vector<32x8400xf32>
    %jit3A_357 = arith.constant 8400 : i32
    %broadcast_in_dim3A_358 = vector.broadcast %jit3A_357 : i32 to vector<32x8400xi32>
    %select_n3A_359 = arith.select %eq3A_356, %iota3A, %broadcast_in_dim3A_358 : vector<32x8400xi1>, vector<32x8400xi32>
    %reduce_min3A_360 = arith.constant dense<2147483647> : vector<32xi32>
    %reduce_min3A_361 = vector.multi_reduction <minsi>, %select_n3A_359, %reduce_min3A_360 [1] : vector<32x8400xi32> to vector<32xi32>
    %broadcast_in_dim3A_362 = vector.shape_cast %reduce_min3A_361 : vector<32xi32> to vector<32x1xi32>
    %eq3A_363 = vector.broadcast %broadcast_in_dim3A_362 : vector<32x1xi32> to vector<32x8400xi32>
    %eq3A_364 = arith.cmpi eq, %iota3A, %eq3A_363 : vector<32x8400xi32>
    %jit3A_365 = arith.constant -1.000000e+00 : f32
    %broadcast_in_dim3A_366 = vector.broadcast %jit3A_365 : f32 to vector<32x8400xf32>
    %select_n3A_367 = arith.select %eq3A_364, %broadcast_in_dim3A_366, %select_n3A_351 : vector<32x8400xi1>, vector<32x8400xf32>
    %reduce_max3A_368 = arith.constant dense<0xFF800000> : vector<32xf32>
    %reduce_max3A_369 = vector.multi_reduction <maximumf>, %select_n3A_367, %reduce_max3A_368 [1] : vector<32x8400xf32> to vector<32xf32>
    %broadcast_in_dim3A_370 = vector.shape_cast %reduce_max3A_369 : vector<32xf32> to vector<32x1xf32>
    %eq3A_371 = vector.broadcast %broadcast_in_dim3A_370 : vector<32x1xf32> to vector<32x8400xf32>
    %eq3A_372 = arith.cmpf oeq, %select_n3A_367, %eq3A_371 : vector<32x8400xf32>
    %jit3A_373 = arith.constant 8400 : i32
    %broadcast_in_dim3A_374 = vector.broadcast %jit3A_373 : i32 to vector<32x8400xi32>
    %select_n3A_375 = arith.select %eq3A_372, %iota3A, %broadcast_in_dim3A_374 : vector<32x8400xi1>, vector<32x8400xi32>
    %reduce_min3A_376 = arith.constant dense<2147483647> : vector<32xi32>
    %reduce_min3A_377 = vector.multi_reduction <minsi>, %select_n3A_375, %reduce_min3A_376 [1] : vector<32x8400xi32> to vector<32xi32>
    %broadcast_in_dim3A_378 = vector.shape_cast %reduce_min3A_377 : vector<32xi32> to vector<32x1xi32>
    %eq3A_379 = vector.broadcast %broadcast_in_dim3A_378 : vector<32x1xi32> to vector<32x8400xi32>
    %eq3A_380 = arith.cmpi eq, %iota3A, %eq3A_379 : vector<32x8400xi32>
    %jit3A_381 = arith.constant -1.000000e+00 : f32
    %broadcast_in_dim3A_382 = vector.broadcast %jit3A_381 : f32 to vector<32x8400xf32>
    %select_n3A_383 = arith.select %eq3A_380, %broadcast_in_dim3A_382, %select_n3A_367 : vector<32x8400xi1>, vector<32x8400xf32>
    %reduce_max3A_384 = arith.constant dense<0xFF800000> : vector<32xf32>
    %reduce_max3A_385 = vector.multi_reduction <maximumf>, %select_n3A_383, %reduce_max3A_384 [1] : vector<32x8400xf32> to vector<32xf32>
    %broadcast_in_dim3A_386 = vector.shape_cast %reduce_max3A_385 : vector<32xf32> to vector<32x1xf32>
    %eq3A_387 = vector.broadcast %broadcast_in_dim3A_386 : vector<32x1xf32> to vector<32x8400xf32>
    %eq3A_388 = arith.cmpf oeq, %select_n3A_383, %eq3A_387 : vector<32x8400xf32>
    %jit3A_389 = arith.constant 8400 : i32
    %broadcast_in_dim3A_390 = vector.broadcast %jit3A_389 : i32 to vector<32x8400xi32>
    %select_n3A_391 = arith.select %eq3A_388, %iota3A, %broadcast_in_dim3A_390 : vector<32x8400xi1>, vector<32x8400xi32>
    %reduce_min3A_392 = arith.constant dense<2147483647> : vector<32xi32>
    %reduce_min3A_393 = vector.multi_reduction <minsi>, %select_n3A_391, %reduce_min3A_392 [1] : vector<32x8400xi32> to vector<32xi32>
    %broadcast_in_dim3A_394 = vector.shape_cast %reduce_min3A_393 : vector<32xi32> to vector<32x1xi32>
    %eq3A_395 = vector.broadcast %broadcast_in_dim3A_394 : vector<32x1xi32> to vector<32x8400xi32>
    %eq3A_396 = arith.cmpi eq, %iota3A, %eq3A_395 : vector<32x8400xi32>
    %jit3A_397 = arith.constant -1.000000e+00 : f32
    %broadcast_in_dim3A_398 = vector.broadcast %jit3A_397 : f32 to vector<32x8400xf32>
    %select_n3A_399 = arith.select %eq3A_396, %broadcast_in_dim3A_398, %select_n3A_383 : vector<32x8400xi1>, vector<32x8400xf32>
    %reduce_max3A_400 = arith.constant dense<0xFF800000> : vector<32xf32>
    %reduce_max3A_401 = vector.multi_reduction <maximumf>, %select_n3A_399, %reduce_max3A_400 [1] : vector<32x8400xf32> to vector<32xf32>
    %broadcast_in_dim3A_402 = vector.shape_cast %reduce_max3A_401 : vector<32xf32> to vector<32x1xf32>
    %eq3A_403 = vector.broadcast %broadcast_in_dim3A_402 : vector<32x1xf32> to vector<32x8400xf32>
    %eq3A_404 = arith.cmpf oeq, %select_n3A_399, %eq3A_403 : vector<32x8400xf32>
    %jit3A_405 = arith.constant 8400 : i32
    %broadcast_in_dim3A_406 = vector.broadcast %jit3A_405 : i32 to vector<32x8400xi32>
    %select_n3A_407 = arith.select %eq3A_404, %iota3A, %broadcast_in_dim3A_406 : vector<32x8400xi1>, vector<32x8400xi32>
    %reduce_min3A_408 = arith.constant dense<2147483647> : vector<32xi32>
    %reduce_min3A_409 = vector.multi_reduction <minsi>, %select_n3A_407, %reduce_min3A_408 [1] : vector<32x8400xi32> to vector<32xi32>
    %broadcast_in_dim3A_410 = vector.shape_cast %reduce_min3A_409 : vector<32xi32> to vector<32x1xi32>
    %eq3A_411 = vector.broadcast %broadcast_in_dim3A_410 : vector<32x1xi32> to vector<32x8400xi32>
    %eq3A_412 = arith.cmpi eq, %iota3A, %eq3A_411 : vector<32x8400xi32>
    %jit3A_413 = arith.constant -1.000000e+00 : f32
    %broadcast_in_dim3A_414 = vector.broadcast %jit3A_413 : f32 to vector<32x8400xf32>
    %select_n3A_415 = arith.select %eq3A_412, %broadcast_in_dim3A_414, %select_n3A_399 : vector<32x8400xi1>, vector<32x8400xf32>
    %reduce_max3A_416 = arith.constant dense<0xFF800000> : vector<32xf32>
    %reduce_max3A_417 = vector.multi_reduction <maximumf>, %select_n3A_415, %reduce_max3A_416 [1] : vector<32x8400xf32> to vector<32xf32>
    %broadcast_in_dim3A_418 = vector.shape_cast %reduce_max3A_417 : vector<32xf32> to vector<32x1xf32>
    %eq3A_419 = vector.broadcast %broadcast_in_dim3A_418 : vector<32x1xf32> to vector<32x8400xf32>
    %eq3A_420 = arith.cmpf oeq, %select_n3A_415, %eq3A_419 : vector<32x8400xf32>
    %jit3A_421 = arith.constant 8400 : i32
    %broadcast_in_dim3A_422 = vector.broadcast %jit3A_421 : i32 to vector<32x8400xi32>
    %select_n3A_423 = arith.select %eq3A_420, %iota3A, %broadcast_in_dim3A_422 : vector<32x8400xi1>, vector<32x8400xi32>
    %reduce_min3A_424 = arith.constant dense<2147483647> : vector<32xi32>
    %reduce_min3A_425 = vector.multi_reduction <minsi>, %select_n3A_423, %reduce_min3A_424 [1] : vector<32x8400xi32> to vector<32xi32>
    %broadcast_in_dim3A_426 = vector.shape_cast %reduce_min3A_425 : vector<32xi32> to vector<32x1xi32>
    %eq3A_427 = vector.broadcast %broadcast_in_dim3A_426 : vector<32x1xi32> to vector<32x8400xi32>
    %eq3A_428 = arith.cmpi eq, %iota3A, %eq3A_427 : vector<32x8400xi32>
    %jit3A_429 = arith.constant -1.000000e+00 : f32
    %broadcast_in_dim3A_430 = vector.broadcast %jit3A_429 : f32 to vector<32x8400xf32>
    %select_n3A_431 = arith.select %eq3A_428, %broadcast_in_dim3A_430, %select_n3A_415 : vector<32x8400xi1>, vector<32x8400xf32>
    %lt3A = arith.constant 0.000000e+00 : f32
    %lt3A_432 = vector.broadcast %lt3A : f32 to vector<32x8400xf32>
    %lt3A_433 = arith.cmpf olt, %select_n3A_431, %lt3A_432 : vector<32x8400xf32>
    %and3A_434 = arith.andi %lt3A_433, %gt3A_60 : vector<32x8400xi1>
    %and3A_435 = vector.broadcast %gt3A_63 : vector<32x1xi1> to vector<32x8400xi1>
    %and3A_436 = arith.andi %and3A_434, %and3A_435 : vector<32x8400xi1>
    %convert_element_type3A_437 = arith.extui %and3A_436 : vector<32x8400xi1> to vector<32x8400xi32>
    %convert_element_type3A_438 = arith.sitofp %convert_element_type3A_437 : vector<32x8400xi32> to vector<32x8400xf32>
    %reduce_sum3A = arith.constant dense<0.000000e+00> : vector<8400xf32>
    %reduce_sum3A_439 = vector.multi_reduction <add>, %convert_element_type3A_438, %reduce_sum3A [0] : vector<32x8400xf32> to vector<8400xf32>
    %broadcast_in_dim3A_440 = vector.shape_cast %reduce_sum3A_439 : vector<8400xf32> to vector<1x8400xf32>
    %gt3A_441 = arith.constant 1.000000e+00 : f32
    %gt3A_442 = vector.broadcast %gt3A_441 : f32 to vector<1x8400xf32>
    %gt3A_443 = arith.cmpf ogt, %broadcast_in_dim3A_440, %gt3A_442 : vector<1x8400xf32>
    %reduce_max3A_444 = arith.constant dense<0xFF800000> : vector<8400xf32>
    %reduce_max3A_445 = vector.multi_reduction <maximumf>, %select_n3A_257, %reduce_max3A_444 [0] : vector<32x8400xf32> to vector<8400xf32>
    %broadcast_in_dim3A_446 = vector.shape_cast %reduce_max3A_445 : vector<8400xf32> to vector<1x8400xf32>
    %eq3A_447 = vector.broadcast %broadcast_in_dim3A_446 : vector<1x8400xf32> to vector<32x8400xf32>
    %eq3A_448 = arith.cmpf oeq, %select_n3A_257, %eq3A_447 : vector<32x8400xf32>
    %jit3A_449 = arith.constant 32 : i32
    %broadcast_in_dim3A_450 = vector.broadcast %jit3A_449 : i32 to vector<32x8400xi32>
    %select_n3A_451 = arith.select %eq3A_448, %iota3A_27, %broadcast_in_dim3A_450 : vector<32x8400xi1>, vector<32x8400xi32>
    %reduce_min3A_452 = arith.constant dense<2147483647> : vector<8400xi32>
    %reduce_min3A_453 = vector.multi_reduction <minsi>, %select_n3A_451, %reduce_min3A_452 [0] : vector<32x8400xi32> to vector<8400xi32>
    %broadcast_in_dim3A_454 = vector.shape_cast %reduce_min3A_453 : vector<8400xi32> to vector<1x8400xi32>
    %eq3A_455 = vector.broadcast %broadcast_in_dim3A_454 : vector<1x8400xi32> to vector<32x8400xi32>
    %eq3A_456 = arith.cmpi eq, %iota3A_27, %eq3A_455 : vector<32x8400xi32>
    %convert_element_type3A_457 = arith.extui %eq3A_456 : vector<32x8400xi1> to vector<32x8400xi32>
    %convert_element_type3A_458 = arith.sitofp %convert_element_type3A_457 : vector<32x8400xi32> to vector<32x8400xf32>
    %broadcast_in_dim3A_459 = vector.shape_cast %gt3A_443 : vector<1x8400xi1> to vector<1x8400xi1>
    %broadcast_in_dim3A_460 = vector.broadcast %broadcast_in_dim3A_459 : vector<1x8400xi1> to vector<32x8400xi1>
    %select_n3A_461 = arith.select %broadcast_in_dim3A_460, %convert_element_type3A_458, %convert_element_type3A_438 : vector<32x8400xi1>, vector<32x8400xf32>
    %reduce_sum3A_462 = arith.constant dense<0.000000e+00> : vector<8400xf32>
    %reduce_sum3A_463 = vector.multi_reduction <add>, %select_n3A_461, %reduce_sum3A_462 [0] : vector<32x8400xf32> to vector<8400xf32>
    %broadcast_in_dim3A_464 = vector.shape_cast %reduce_sum3A_463 : vector<8400xf32> to vector<1x8400xf32>
    %gt3A_465 = arith.constant 0.000000e+00 : f32
    %gt3A_466 = vector.broadcast %gt3A_465 : f32 to vector<32x8400xf32>
    %gt3A_467 = arith.cmpf ogt, %select_n3A_461, %gt3A_466 : vector<32x8400xf32>
    %jit3A_468 = arith.constant 32 : i32
    %broadcast_in_dim3A_469 = vector.broadcast %jit3A_468 : i32 to vector<32x8400xi32>
    %select_n3A_470 = arith.select %gt3A_467, %iota3A_27, %broadcast_in_dim3A_469 : vector<32x8400xi1>, vector<32x8400xi32>
    %reduce_min3A_471 = arith.constant dense<2147483647> : vector<8400xi32>
    %reduce_min3A_472 = vector.multi_reduction <minsi>, %select_n3A_470, %reduce_min3A_471 [0] : vector<32x8400xi32> to vector<8400xi32>
    %broadcast_in_dim3A_473 = vector.shape_cast %reduce_min3A_472 : vector<8400xi32> to vector<1x8400xi32>
    %gt3A_474 = arith.constant 0.000000e+00 : f32
    %gt3A_475 = vector.broadcast %gt3A_474 : f32 to vector<1x8400xf32>
    %gt3A_476 = arith.cmpf ogt, %broadcast_in_dim3A_464, %gt3A_475 : vector<1x8400xf32>
    %jit3A_477 = arith.constant 0 : i32
    %broadcast_in_dim3A_478 = vector.broadcast %jit3A_477 : i32 to vector<1x8400xi32>
    %select_n3A_479 = arith.select %gt3A_476, %broadcast_in_dim3A_473, %broadcast_in_dim3A_478 : vector<1x8400xi1>, vector<1x8400xi32>
    %eq3A_480 = vector.broadcast %select_n3A_479 : vector<1x8400xi32> to vector<32x8400xi32>
    %eq3A_481 = arith.cmpi eq, %iota3A_27, %eq3A_480 : vector<32x8400xi32>
    %convert_element_type3A_482 = arith.extui %eq3A_481 : vector<32x8400xi1> to vector<32x8400xi32>
    %convert_element_type3A_483 = arith.sitofp %convert_element_type3A_482 : vector<32x8400xi32> to vector<32x8400xf32>
    %mul3A_484 = arith.mulf %mul3A_273, %select_n3A_461 : vector<32x8400xf32>
    %reduce_max3A_485 = arith.constant dense<0xFF800000> : vector<32xf32>
    %reduce_max3A_486 = vector.multi_reduction <maximumf>, %mul3A_484, %reduce_max3A_485 [1] : vector<32x8400xf32> to vector<32xf32>
    %broadcast_in_dim3A_487 = vector.shape_cast %reduce_max3A_486 : vector<32xf32> to vector<32x1xf32>
    %mul3A_488 = arith.mulf %select_n3A_257, %select_n3A_461 : vector<32x8400xf32>
    %reduce_max3A_489 = arith.constant dense<0xFF800000> : vector<32xf32>
    %reduce_max3A_490 = vector.multi_reduction <maximumf>, %mul3A_488, %reduce_max3A_489 [1] : vector<32x8400xf32> to vector<32xf32>
    %broadcast_in_dim3A_491 = vector.shape_cast %reduce_max3A_490 : vector<32xf32> to vector<32x1xf32>
    %add3A_492 = arith.constant 9.99999971E-10 : f32
    %add3A_493 = vector.broadcast %add3A_492 : f32 to vector<32x1xf32>
    %add3A_494 = arith.addf %broadcast_in_dim3A_487, %add3A_493 : vector<32x1xf32>
    %div3A_495 = arith.divf %broadcast_in_dim3A_491, %add3A_494 : vector<32x1xf32>
    %mul3A_496 = vector.broadcast %div3A_495 : vector<32x1xf32> to vector<32x8400xf32>
    %mul3A_497 = arith.mulf %mul3A_484, %mul3A_496 : vector<32x8400xf32>
    %reduce_max3A_498 = arith.constant dense<0xFF800000> : vector<8400xf32>
    %reduce_max3A_499 = vector.multi_reduction <maximumf>, %mul3A_497, %reduce_max3A_498 [0] : vector<32x8400xf32> to vector<8400xf32>
    %broadcast_in_dim3A_500 = vector.shape_cast %reduce_max3A_499 : vector<8400xf32> to vector<1x8400xf32>
    %gt3A_501 = arith.constant 0.000000e+00 : f32
    %gt3A_502 = vector.broadcast %gt3A_501 : f32 to vector<1x8400xf32>
    %gt3A_503 = arith.cmpf ogt, %broadcast_in_dim3A_464, %gt3A_502 : vector<1x8400xf32>
    %jit3A_504 = arith.constant 0.000000e+00 : f32
    %broadcast_in_dim3A_505 = vector.broadcast %jit3A_504 : f32 to vector<1x8400xf32>
    %select_n3A_506 = arith.select %gt3A_503, %broadcast_in_dim3A_500, %broadcast_in_dim3A_505 : vector<1x8400xi1>, vector<1x8400xf32>
    %mul3A_507 = vector.broadcast %select_n3A_506 : vector<1x8400xf32> to vector<32x8400xf32>
    %mul3A_508 = arith.mulf %convert_element_type3A_483, %mul3A_507 : vector<32x8400xf32>
    %convert_element_type3A_509 = arith.truncf %mul3A_508 : vector<32x8400xf32> to vector<32x8400xbf16>
    %convert_element_type3A_510 = arith.truncf %convert_element_type3A_31 : vector<32x128xf32> to vector<32x128xbf16>
    %dot_general3A_511 = arith.constant dense<0.000000e+00> : vector<8400x128xf32>
    %dot_general3A_512 = tpu.matmul %convert_element_type3A_509, %convert_element_type3A_510, %dot_general3A_511 {dimension_numbers = #tpu.dot_dimension_numbers<[0], [0], [1], [1], [0, 1, 1, 1], [], []>, transpose_lhs_hint = false} : vector<32x8400xbf16>, vector<32x128xbf16>, vector<8400x128xf32> -> vector<8400x128xf32>
    %swap3A = arith.constant 0 : index
    %swap3A_513 = arith.constant 0 : index
    %swap3A_514 = arith.constant 0 : index
    %swap3A_515 = vector.load %arg8[%swap3A, %swap3A_513, %swap3A_514] : memref<1x8400x128xf32, #tpu.memory_space<vmem>>, vector<1x8400x128xf32>
    %swap3A_516 = vector.shape_cast %swap3A_515 : vector<1x8400x128xf32> to vector<8400x128xf32>
    %swap3A_517 = vector.shape_cast %dot_general3A_512 : vector<8400x128xf32> to vector<1x8400x128xf32>
    tpu.vector_store %arg8[%swap3A, %swap3A_513, %swap3A_514], %swap3A_517 {strides = array<i32>} : memref<1x8400x128xf32, #tpu.memory_space<vmem>>, vector<1x8400x128xf32>,
    %convert_element_type3A_518 = arith.truncf %convert_element_type3A_483 : vector<32x8400xf32> to vector<32x8400xbf16>
    %convert_element_type3A_519 = arith.truncf %get3A_21 : vector<32x4xf32> to vector<32x4xbf16>
    %convert_element_type3A_520 = arith.extf %convert_element_type3A_519 : vector<32x4xbf16> to vector<32x4xf32>
    %sub3A_521 = arith.subf %get3A_21, %convert_element_type3A_520 : vector<32x4xf32>
    %convert_element_type3A_522 = arith.truncf %sub3A_521 : vector<32x4xf32> to vector<32x4xbf16>
    %dot_general3A_523 = arith.constant dense<0.000000e+00> : vector<8400x4xf32>
    %dot_general3A_524 = tpu.matmul %convert_element_type3A_518, %convert_element_type3A_519, %dot_general3A_523 {dimension_numbers = #tpu.dot_dimension_numbers<[0], [0], [1], [1], [0, 1, 1, 1], [], []>, transpose_lhs_hint = false} : vector<32x8400xbf16>, vector<32x4xbf16>, vector<8400x4xf32> -> vector<8400x4xf32>
    %dot_general3A_525 = arith.constant dense<0.000000e+00> : vector<8400x4xf32>
    %dot_general3A_526 = tpu.matmul %convert_element_type3A_518, %convert_element_type3A_522, %dot_general3A_525 {dimension_numbers = #tpu.dot_dimension_numbers<[0], [0], [1], [1], [0, 1, 1, 1], [], []>, transpose_lhs_hint = false} : vector<32x8400xbf16>, vector<32x4xbf16>, vector<8400x4xf32> -> vector<8400x4xf32>
    %add3A_527 = arith.addf %dot_general3A_524, %dot_general3A_526 : vector<8400x4xf32>
    %swap3A_528 = arith.constant 0 : index
    %swap3A_529 = arith.constant 0 : index
    %swap3A_530 = arith.constant 0 : index
    %swap3A_531 = vector.load %arg7[%swap3A_528, %swap3A_529, %swap3A_530] : memref<1x8400x4xf32, #tpu.memory_space<vmem>>, vector<1x8400x4xf32>
    %swap3A_532 = vector.shape_cast %swap3A_531 : vector<1x8400x4xf32> to vector<8400x4xf32>
    %swap3A_533 = vector.shape_cast %add3A_527 : vector<8400x4xf32> to vector<1x8400x4xf32>
    tpu.vector_store %arg7[%swap3A_528, %swap3A_529, %swap3A_530], %swap3A_533 {strides = array<i32>} : memref<1x8400x4xf32, #tpu.memory_space<vmem>>, vector<1x8400x4xf32>,
    %swap3A_534 = arith.constant 0 : index
    %swap3A_535 = arith.constant 0 : index
    %swap3A_536 = arith.constant 0 : index
    %swap3A_537 = vector.load %arg9[%swap3A_534, %swap3A_535, %swap3A_536] : memref<1x1x8400xf32, #tpu.memory_space<vmem>>, vector<1x1x8400xf32>
    %swap3A_538 = vector.shape_cast %swap3A_537 : vector<1x1x8400xf32> to vector<1x8400xf32>
    %swap3A_539 = vector.shape_cast %broadcast_in_dim3A_464 : vector<1x8400xf32> to vector<1x1x8400xf32>
    tpu.vector_store %arg9[%swap3A_534, %swap3A_535, %swap3A_536], %swap3A_539 {strides = array<i32>} : memref<1x1x8400xf32, #tpu.memory_space<vmem>>, vector<1x1x8400xf32>,
    return
  }
  func.func @transform_0(%arg0: i32) -> (i32, i32, i32) {
    %c0_i32 = arith.constant 0 : i32
    %c0_i32_0 = arith.constant 0 : i32
    %c0_i32_1 = arith.constant 0 : i32
    return %arg0, %c0_i32, %c0_i32_0 : i32, i32, i32
  }
  func.func @transform_1(%arg0: i32) -> (i32, i32, i32) {
    %c0_i32 = arith.constant 0 : i32
    %c0_i32_0 = arith.constant 0 : i32
    %c0_i32_1 = arith.constant 0 : i32
    return %arg0, %c0_i32, %c0_i32_0 : i32, i32, i32
  }
  func.func @transform_2(%arg0: i32) -> (i32, i32) {
    %c0_i32 = arith.constant 0 : i32
    %c0_i32_0 = arith.constant 0 : i32
    %c0_i32_1 = arith.constant 0 : i32
    return %c0_i32, %c0_i32_0 : i32, i32
  }
  func.func @transform_3(%arg0: i32) -> (i32, i32, i32) {
    %c0_i32 = arith.constant 0 : i32
    %c0_i32_0 = arith.constant 0 : i32
    %c0_i32_1 = arith.constant 0 : i32
    return %arg0, %c0_i32, %c0_i32_0 : i32, i32, i32
  }
  func.func @transform_4(%arg0: i32) -> (i32, i32, i32) {
    %c0_i32 = arith.constant 0 : i32
    %c0_i32_0 = arith.constant 0 : i32
    %c0_i32_1 = arith.constant 0 : i32
    return %arg0, %c0_i32, %c0_i32_0 : i32, i32, i32
  }
  func.func @transform_5(%arg0: i32) -> (i32, i32, i32) {
    %c0_i32 = arith.constant 0 : i32
    %c0_i32_0 = arith.constant 0 : i32
    %c0_i32_1 = arith.constant 0 : i32
    return %arg0, %c0_i32, %c0_i32_0 : i32, i32, i32
  }
  func.func @transform_6(%arg0: i32) -> (i32, i32, i32) {
    %c0_i32 = arith.constant 0 : i32
    %c0_i32_0 = arith.constant 0 : i32
    %c0_i32_1 = arith.constant 0 : i32
    return %arg0, %c0_i32, %c0_i32_0 : i32, i32, i32
  }
  func.func @transform_7(%arg0: i32) -> (i32, i32, i32) {
    %c0_i32 = arith.constant 0 : i32
    %c0_i32_0 = arith.constant 0 : i32
    %c0_i32_1 = arith.constant 0 : i32
    return %arg0, %c0_i32, %c0_i32_0 : i32, i32, i32
  }
  func.func @transform_8(%arg0: i32) -> (i32, i32, i32) {
    %c0_i32 = arith.constant 0 : i32
    %c0_i32_0 = arith.constant 0 : i32
    %c0_i32_1 = arith.constant 0 : i32
    return %arg0, %c0_i32, %c0_i32_0 : i32, i32, i32
  }
}

</mosaic_0001>

<sc_bundles>
// kernel: sparse-core-data-format-call.cloned.1.call-start
scs
called_computation_lowered:
.L_overlay_start_0:
0x0: {  	s2 =	sld [smem:$0x3FD9]  }
0x1: {  	s3 =	sld [smem:$0x3FFE];
	_ =	sdelay $0x1  }
0x2: {  	s1 =	srdreg.scid  }
0x3: {  	s0 =	sand.u32 $0x1, s1  }
0x4: {  	s15 =	sshll.u32 s0, $0xA;
	s2 =	sadd.s32 s3, s2  }
0x5: {  	s2 =	sadd.s32 s2, s15  }
0x6: {  	[smem:$0x3FC2] =	sst s2  }
0x7: {  	_ = 	snop  }
0x8: {  	s2 =	sld [smem:$0x3FD0];
	_ =	sdelay $0x2  }
0x9: {  	s16 =	simm.s32 $0xA;
	s4 =	simm.s32 $0x10  }
0xa: {  	[smem:s4], [sflag:s16] =	dma.local [hbm:s2], $0x1  }
0xb: {  	_ =	swait.eq [sflag:s16], $0x1  }
0xc: {  	[sflag:s16] =	ssyncset.done $0x0  }
0xd: {  	[sflag:s16] =	ssyncadd.s32 $0xFFFFFFFF  }
0xe: {  	s17 =	sld [smem:$0x11];
	(tm) =	ssettm $0x1  }
0xf: {  	s18 =	sld [smem:$0x3FFB];
	_ =	sdelay $0x3  }
0x10: {  	_ =	strace s18  }
0x11: {  	s3 =	sld [smem:$0x3FFC];
	_ =	sdelay $0x3  }
0x12: {  	_ =	strace s3  }
0x13: {  	s3 =	sld [smem:$0x3FFD];
	_ =	sdelay $0x3  }
0x14: {  	_ =	strace s3  }
0x15: {  	_ =	strace $0x8FFFFFFF  }
0x16: {  	s19 =	sld [smem:$0x3FDB];
	_ =	sdelay $0x1  }
0x17: {  	s20 =	simm.s32 $_scs_section_size  }
0x18: {  	s5 =	simm.s32 $_size__tile_overlayer_lowered;
	s6 =	simm.s32 $_tile_overlayer_lowered  }
0x19: {  	s23 =	simm.s32 $0x1BFF;
	s22 =	sshll.u32 s6, $0x1;
	s3 =	sadd.s32 s20, s19  }
0x1a: {  	s7 =	simm.s32 $0x0;
	s21 =	sshll.u32 s5, $0x1;
	s5 =	sadd.s32 s22, s3  }
0x1b: {  	[timem:s7], [sflag:s23] =	dma.local [hbm:s5], s21  }
0x1c: {  	_ =	swait.ge [sflag:s23], s21  }
0x1d: {  	s4 =	ssub.s32 $0x0, s21;
	[sflag:s23] =	ssyncset.done $0x0  }
0x1e: {  	[sflag:s23] =	ssyncadd.s32 s4;
	_ =	sdelay $0x1  }
0x1f: {  	s24 =	simm.s32 $0x1B8B  }
0x20: {  	_ =	swait.ge [sflag:s24], $0x1  }
0x21: {  	[sflag:s24] =	ssyncset.done $0x0  }
0x22: {  	s26 =	simm.s32 $0x1B8E;
	s25 =	sld [smem:$0x3FFE];
	[sflag:s24] =	ssyncadd.s32 $0xFFFFFFFF  }
0x23: {  	s27 =	simm.s32 $execute0_lowered;
	[smem:$0x3FD2] =	sst s26  }
0x24: {  	s5 =	sshll.u32 s27, $0x1;
	_ =	strace $0x80000046;
	[dreg:$0x1] =	wrdreg $0xFFFFFFFF  }
0x25: {  	s28 =	simm.s32 $_size_execute0_lowered;
	s3 =	sadd.s32 s3, s5;
	[dreg:$0x0] =	wrdreg $0x0  }
0x26: {  	s5 =	sshll.u32 s28, $0x1;
	[dreg:$0x2] =	wrdreg s3  }
0x27: {  	[dreg:$0x3] =	wrdreg s5  }
0x28: {  	[dreg:$0x4] =	wrdreg $0xC0  }
0x29: {  	_ =	task [dreg:s7], $0x5FFFF  }
0x2a: {  	[dreg:$0x1] =	wrdreg $0xFFFFFFFF  }
0x2b: {  	[dreg:$0x0] =	wrdreg $0x60  }
0x2c: {  	[dreg:$0x2] =	wrdreg s25  }
0x2d: {  	[dreg:$0x3] =	wrdreg s17  }
0x2e: {  	[dreg:$0x4] =	wrdreg $0x9  }
0x2f: {  	_ =	task.clear_ibuf [dreg:s7], $0x5FFFF;
	_ =	strace $0x90000046  }
0x30: {  	s29 =	simm.s32 $0x9;
	_ =	strace $0x80000048  }
0x31: {  	_ =	swait.ge [sflag:s29], $0x1  }
0x32: {  	[sflag:s29] =	ssyncadd.s32 $0xFFFFFFFF  }
0x33: {  	_ =	strace $0x90000048  }
0x34: {  	_ =	sfence  }
0x35: {  	s30 =	sld [smem:$0x0];
	_ =	sdelay $0x2  }
0x36: {  	s31 =	sshll.u32 s1, $0xD;
	s1 =	sshrl.u32 s1, $0x2  }
0x37: {  	s3 =	sand.u32 $0x4000, s31;
	s1 =	sadd.s32 s1, s30  }
0x38: {  	s0 =	sor.u32 s3, s0;
	s1 =	sshll.u32 s1, $0x11  }
0x39: {  	s0 =	sor.u32 s1, s0  }
0x3a: {  	s0 =	sadd.s32 $0x8F2B, s0  }
0x3b: {  	[sflag:s0] =	ssyncadd.remote.s32 $0x1  }
0x3c: {  	_ =	sfence.sel $0xFFFF  }
0x3d: {  	[dreg:$0x0] =	wrdreg $0xFFFFFFFF;
	(pc) =	sbr.abs _section_cstart, $3  }
0x3e: {  	[dreg:$0x1] =	wrdreg $0xFFFFFFFF  }
0x3f: {  	_ =	task.clear_ibuf [dreg:s7], $0x2FFFF;
	_ =	strace $0x9FFFFFFF  }
0x40: {  	(tm) =	ssettm $0x7FFFFFFF  }
0x41: {  	_ =	shalt  }
tec
execute0_lowered:
.L_overlay_start_1:
0x0: {  	(tag) =	ssettag $0x1  }
0x1: {  	s1 =	rddreg [dreg:$0x0];
	_ =	strace $0x80000047  }
0x2: {  	s5 =	srdreg.scid;
	s4 =	simm.s32 $0x1;
	s6 =	simm.s32 $0x2  }
.Ltmp0:
0x3: {  	s12 =	simm.s32 $0x0;
	s13 =	simm.s32 $0x0;
	(pc) =	sbr.rel .LBB1_1-.Ltmp0, $4  }
0x4: {  	s8 =	simm.s32 $0x0;
	s10 =	simm.s32 $0x0;
	s11 =	stileid.u32  }
0x5: {  	s7 =	simm.s32 $0x0;
	s21 =	simm.s32 $0x0;
	s5 =	sshll.u32 s5, $0x7  }
0x6: {  	s3 =	sadd.s32 $0x41AA00, s1;
	[sflag:s4] =	ssyncpa.u1 $0x0;
	s5 =	sand.u32 $0x80, s5  }
0x7: {  	s1 =	stileid.u32;
	[sflag:s6] =	ssyncpa.u1 $0x0;
	s9 =	smov.u32 s5  }
.LBB1_7:
0x8: {  	p0 =	sgt.s32 s8, $0x2080;
	s0 =	smov.u32 s8;
	s2 =	sshll.u32 s8, $0x3  }
0x9: {  	s6 =	sand.u32 $0x7F, s8;
	s0 =	simm.s32 @!p0 $0x2080;
	s2 =	sand.u32 $0xFFFFFC00, s2  }
0xa: {  	s0 =	sadd.s32 s15, s0;
	s6 =	sor.u32 s6, s2;
	s2 =	smulhi.u32 $0x3E0F83E1, s2  }
0xb: {  	s25 =	smul.u32 $0x14A00, s10;
	s15 =	sadd.s32 $0xFFFFDF80, s0;
	s0 =	ssub.s32 $0x2100, s0  }
0xc: {  	s22 =	smulhi.u32 $0x3E0F83E1, s6;
	p0 =	sgt.s32 s15, $0x7F;
	s2 =	sshrl.u32 s2, $0xB  }
0xd: {  	s0 =	simm.s32 @p0 $0x0;
	s24 =	smulhi.u32 $0x3333334, s2  }
0xe: {  	s0 =	smul.u32 s0, s14  }
0xf: {  	s23 =	sshrl.u32 s22, $0xB;
	s15 =	smul.u32 $0x50, s24  }
0x10: {  	s14 =	smul.u32 $0x2100, s23  }
0x11: {  	s26 =	rddreg [dreg:$0x1];
	s29 =	sor.u32 $0x8000, s16;
	s2 =	ssub.s32 s2, s15  }
0x12: {  	s31 =	simm.s32 $0x10800;
	s6 =	ssub.s32 s6, s14;
	s2 =	smul.u32 $0x420, s2  }
0x13: {  	s0 =	smul.u32 $0x50, s0;
	s14 =	sadd.s32 s26, s25;
	s27 =	sand.u32 $0x7, s6  }
0x14: {  	s6 =	sshrl.u32 s6, $0x3;
	s28 =	sshll.u32 s27, $0x12;
	s2 =	sadd.s32 s2, s14  }
0x15: {  	s0 =	sand.u32 $0x3FFFFFF0, s0;
	s30 =	sor.u32 $0x400, s28;
	s2 =	sadd.s32 s6, s2  }
0x16: {  	[hbm4b:s2+s30] =	stream.strided.scatter [tilespmem:s29], [sflag:$0x2], s0, s31, s30, $0x20;
	[tilespmem:$0x10100] =	vst v63  }
.LBB1_8:
0x17: {  	p0 =	slt.u32 s7, $0x2  }
0x18: {  	s2 =	smov.u32 s13;
	s6 =	smov.u32 s12;
	p1 =	sgt.s32 @!p0 s13, $0xF  }
0x19: {  	s0 =	sshra.s32 @!p0 s13, $0x1F;
	p2 =	sgt.s32 @!p0 s12, $0x2080;
	p1 =	por !p1, p0  }
0x1a: {  	s0 =	sand.u32 @!p0 s0, s13;
	p2 =	por !p2, p0;
	s13 =	sshra.s32 @!p0 s12, $0x1F  }
0x1b: {  	s2 =	simm.s32 @p1 $0xF;
	s6 =	simm.s32 @p2 $0x2080;
	s12 =	sand.u32 @!p0 s13, s12  }
0x1c: {  	s0 =	ssub.s32 @!p0 s2, s0;
	s2 =	ssub.s32 @!p0 s6, s12  }
0x1d: {  	s6 =	sadd.s32 @!p0 $0xFFFFFFF1, s0;
	s0 =	ssub.s32 @!p0 $0x10, s0;
	s12 =	sadd.s32 @!p0 $0xFFFFDF80, s2  }
0x1e: {  	p1 =	sgt.s32 @!p0 s6, $0x0;
	s0 =	smul.u32 @!p0 $0x50, s0;
	p2 =	sgt.s32 @!p0 s12, $0x7F  }
0x1f: {  	s2 =	ssub.s32 @!p0 $0x2100, s2;
	p1 =	por !p1, p0;
	p2 =	por !p2, p0  }
0x20: {  	s0 =	simm.s32 @!p1 $0x0;
	s2 =	simm.s32 @!p2 $0x0  }
0x21: {  	s0 =	smul.u32 @!p0 s2, s0;
	s2 =	sadd.s32 $0x100, s9  }
0x22: {  	s14 =	smov.u32 s11;
	s12 =	sadd.s32 $0x10, s11;
	p1 =	sgt.s32 s2, $0x20CF  }
0x23: {  	s14 =	smov.u32 @p1 s12  }
0x24: {  	s7 =	sadd.s32 $0x1, s7;
	s2 =	smov.u32 @p1 s5;
	p1 =	sgt.s32 s14, $0xF  }
0x25: {  	s14 =	smov.u32 @p1 s1;
	p1 =	sne.s32 s7, $0x23  }
.Ltmp1:
0x26: {  	_ = 	snop;
	(pc) =	sbr.rel @!p1 .LBB1_9-.Ltmp1, $4  }
0x27: {  	s13 =	smov.u32 s10;
	s6 =	simm.s32 @!p0 $0x2;
	s0 =	sand.u32 @!p0 $0x3FFFFFF0, s0  }
0x28: {  	s10 =	smov.u32 s11;
	s12 =	smov.u32 s8;
	_ =	swait.ge @!p0 [sflag:s6], s0  }
0x29: {  	s8 =	smov.u32 s9;
	s0 =	ssub.s32 @!p0 $0x0, s0;
	[sflag:s6] =	ssyncset.done @!p0 $0x0  }
0x2a: {  	s9 =	smov.u32 s2;
	[sflag:s6] =	ssyncadd.s32 @!p0 s0;
	s11 =	smov.u32 s14  }
.LBB1_1:
0x2b: {  	p0 =	sgt.u32 s7, $0x20;
	s15 =	smov.u32 s11  }
0x2c: {  	s18 =	smov.u32 s9;
	p1 =	sgt.s32 @!p0 s11, $0xF;
	s14 =	sand.u32 @!p0 $0x1FFFFFF, s9  }
0x2d: {  	s17 =	sshra.s32 @!p0 s11, $0x1F;
	s19 =	sshra.s32 @!p0 s9, $0x1F;
	p1 =	por !p1, p0  }
0x2e: {  	s16 =	smulhi.u32 @!p0 $0x1F35269, s14;
	s15 =	simm.s32 @p1 $0xF;
	p1 =	sgt.s32 @!p0 s9, $0x2050  }
0x2f: {  	s17 =	sand.u32 @!p0 s17, s11;
	s19 =	sand.u32 @!p0 s19, s9;
	p1 =	por !p1, p0  }
0x30: {  	s15 =	ssub.s32 @!p0 s15, s17;
	s16 =	sshrl.u32 @!p0 s16, $0x6;
	s18 =	simm.s32 @p1 $0x2050  }
0x31: {  	s15 =	sadd.s32 @!p0 $0xFFFFFFF1, s15;
	s16 =	smul.u32 @!p0 $0x20D0, s16;
	s17 =	ssub.s32 @!p0 s18, s19  }
0x32: {  	p1 =	sgt.s32 @!p0 s15, $0x0;
	s15 =	sshll.u32 @!p0 s15, $0x7;
	s18 =	sadd.s32 @!p0 $0xFFFFDFB0, s17  }
0x33: {  	s19 =	smul.u32 @!p0 $0x20D00, s11;
	s17 =	ssub.s32 @!p0 $0x20D0, s17;
	p2 =	sgt.s32 @!p0 s18, $0x7F  }
0x34: {  	s15 =	ssub.s32 @!p0 $0x80, s15;
	p1 =	por !p1, p0;
	p2 =	por !p2, p0  }
0x35: {  	s18 =	sxor.u32 @!p0 $0xFFFFFFFF, s7;
	s15 =	simm.s32 @!p1 $0x0;
	s17 =	simm.s32 @!p2 $0x0  }
0x36: {  	s14 =	ssub.s32 @!p0 s14, s16;
	s16 =	sshll.u32 @!p0 s18, $0xE;
	s15 =	smul.u32 @!p0 s17, s15  }
0x37: {  	s14 =	sshll.u32 @!p0 s14, $0x4;
	s16 =	sand.u32 @!p0 $0x4000, s16;
	s17 =	sadd.s32 @!p0 s3, s19  }
0x38: {  	s14 =	sadd.s32 @!p0 s14, s17;
	s17 =	simm.s32 @!p0 $0x0;
	s15 =	sand.u32 @!p0 $0x3FFFFF80, s15  }
0x39: {  	[tilespmem:s16], [sflag:$0x1] =	stream.linear.gather @!p0 [hbm4b:s14+s17], s15, $0x38;
	[tilespmem:$0x10100] =	vst v63  }
0x3a: {  	p0 =	seq.s32 s7, $0x0  }
0x3b: {  	p1 =	seq.s32 @!p0 s7, $0x22  }
0x3c: {  	p0 =	por p0, p1  }
.Ltmp2:
0x3d: {  	_ = 	snop;
	(pc) =	sbr.rel @p0 .LBB1_8-.Ltmp2, $1  }
0x3e: {  	_ =	sdelay $0x3  }
0x3f: {  	p0 =	sgt.s32 s10, $0xF  }
0x40: {  	s14 =	smov.u32 s10;
	s15 =	sshra.s32 s10, $0x1F;
	s16 =	ssub.s32 $0x0, s8  }
0x41: {  	s17 =	sshra.s32 s8, $0x1F;
	s14 =	simm.s32 @!p0 $0xF;
	s15 =	sand.u32 s15, s10  }
0x42: {  	s18 =	smov.u32 s8;
	p0 =	sgt.s32 s8, $0x2050;
	s14 =	ssub.s32 s14, s15  }
0x43: {  	s15 =	sand.u32 s16, s17;
	s18 =	simm.s32 @!p0 $0x2050;
	s30 =	sadd.s32 $0xFFFFFFF1, s14  }
0x44: {  	s17 =	sadd.s32 s15, s18;
	s14 =	ssub.s32 $0x10, s14;
	p0 =	sgt.s32 s30, $0x0  }
0x45: {  	s31 =	sadd.s32 $0xFFFFDFB0, s17;
	s16 =	ssub.s32 $0x20D0, s17;
	s17 =	sadd.s32 $0x1, s10  }
0x46: {  	s18 =	sadd.s32 $0x80, s8;
	s14 =	simm.s32 @p0 $0x0;
	p0 =	slt.s32 s17, $0x10  }
0x47: {  	s17 =	simm.s32 @!p0 $0x10;
	p0 =	slt.s32 s18, $0x20D0  }
0x48: {  	p1 =	sgt.s32 s31, $0x7F;
	s17 =	ssub.s32 s17, s10;
	s18 =	simm.s32 @!p0 $0x20D0  }
0x49: {  	s16 =	simm.s32 @p1 $0x0;
	s18 =	ssub.s32 s18, s8;
	p0 =	slt.s32 s17, $0x1  }
0x4a: {  	s16 =	smul.u32 s16, s14;
	p1 =	slt.s32 @!p0 s18, $0x1  }
0x4b: {  	p1 =	por p0, p1  }
.Ltmp3:
0x4c: {  	s16 =	sshll.u32 s16, $0x7;
	(pc) =	sbr.rel @p1 .LBB1_7-.Ltmp3, $4  }
0x4d: {  	s16 =	sand.u32 $0x3FFFFF80, s16  }
0x4e: {  	_ =	swait.ge [sflag:s4], s16  }
0x4f: {  	s19 =	sand.u32 $0x1, s7;
	s16 =	ssub.s32 $0x0, s16;
	[sflag:s4] =	ssyncset.done $0x0  }
0x50: {  	[sflag:s4] =	ssyncadd.s32 s16;
	s16 =	smul.u32 $0x4080, s19  }
0x51: {  	_ = 	snop  }
0x52: {  	s19 =	sshll.u32 @!p0 s19, $0xE;
	s22 =	simm.s32 $0x0;
	s20 =	sor.u32 @!p0 $0x8000, s16  }
.LBB1_4:
0x53: {  	s23 =	sshll.u32 s22, $0x10  }
0x54: {  	s24 =	smul.u32 $0x10200, s22;
	s23 =	sshra.s32 s23, $0x2  }
0x55: {  	s31 =	simm.s32 $0x0;
	s27 =	simm.s32 $0x10;
	s25 =	sadd.s32 s23, s19  }
0x56: {  	p0 =	sne.s32 s18, $0x1;
	s28 =	simm.s32 $0x20;
	s27 =	sand.u32 $0x78, s27;
	v0 =	vmov s25  }
0x57: {  	s26 =	sand.u32 $0x3F80, s21;
	s28 =	sand.u32 $0x78, s28;
	s27 =	smul.u32 $0x204, s27  }
0x58: {  	s30 =	sshra.s32 s24, $0x2;
	s24 =	simm.s32 $0x1;
	s28 =	smul.u32 $0x204, s28  }
0x59: {  	s23 =	sadd.s32 s30, s20;
	s25 =	sand.u32 $0x78, s31;
	s30 =	simm.s32 $0x30  }
0x5a: {  	s31 =	sand.u32 $0x7F, s21;
	s29 =	sxor.u32 $0x40, s25;
	s25 =	smul.u32 $0x204, s25  }
0x5b: {  	s30 =	sand.u32 $0x78, s30;
	s27 =	sshrl.u32 s27, $0x2;
	s29 =	smul.u32 $0x204, s29;
	v3 =	vld.idx.msk [tilespmem:v0+s26+$0x40 ss:$0x1], $0xffff  }
0x5c: {  	s28 =	sshrl.u32 s28, $0x2;
	s30 =	smul.u32 $0x204, s30;
	s27 =	sadd.s32 s27, s23;
	v4 =	vld.idx.msk [tilespmem:v0+s26+$0x0 ss:$0x1], $0xffff  }
.Ltmp4:
0x5d: {  	s28 =	sadd.s32 s28, s23;
	s29 =	sshrl.u32 s29, $0x2;
	(pc) =	sbr.rel @!p0 .LBB1_6-.Ltmp4, $4  }
0x5e: {  	s25 =	sshrl.u32 s25, $0x2;
	s28 =	sadd.s32 s31, s28;
	s29 =	sadd.s32 s29, s23;
	v1 =	vld.idx.msk [tilespmem:v0+s26+$0x10 ss:$0x1], $0xffff  }
0x5f: {  	s25 =	sadd.s32 s25, s23;
	s30 =	sshrl.u32 s30, $0x2;
	s29 =	sadd.s32 s31, s29  }
0x60: {  	s25 =	sadd.s32 s31, s25;
	v2 =	vld.idx.msk [tilespmem:v0+s26+$0x20 ss:$0x1], $0xffff;
	[tilespmem:s29+$0x0 ss:$0x81] =	vst.msk $0xffff, v3;
	s29 =	sadd.s32 s31, s27;
	s27 =	sadd.s32 s30, s23  }
0x61: {  	v3 =	vld.idx.msk [tilespmem:v0+s26+$0x30 ss:$0x1], $0xffff;
	[tilespmem:s25+$0x0 ss:$0x81] =	vst.msk $0xffff, v4;
	s25 =	simm.s32 $0x1808;
	s26 =	simm.s32 $0x0;
	s27 =	sadd.s32 s31, s27  }
.LBB1_5:
0x62: {  	s30 =	sadd.s32 $0xFFFFE800, s25  }
0x63: {  	s31 =	sadd.s32 $0xFFFFF000, s25;
	[tilespmem:s29+$0x0 ss:$0x81] =	vst.msk $0xffff, v1;
	s29 =	smov.u32 s24;
	s24 =	sadd.s32 $0x1, s24  }
0x64: {  	s26 =	sadd.s32 $0x80, s26;
	s0 =	sadd.s32 $0xFFFFF800, s25;
	s2 =	sshrl.u32 s25, $0x7  }
0x65: {  	s30 =	sshrl.u32 s30, $0x7;
	p0 =	sne.s32 s18, s24;
	[tilespmem:s28+$0x0 ss:$0x81] =	vst.msk $0xffff, v2;
	s28 =	sand.u32 $0x3F80, s26  }
0x66: {  	s0 =	sshrl.u32 s0, $0x7;
	s2 =	sand.u32 $0x78, s2;
	s30 =	sand.u32 $0x78, s30;
	[tilespmem:s27+$0x0 ss:$0x81] =	vst.msk $0xffff, v3  }
0x67: {  	s27 =	sshrl.u32 s31, $0x7;
	s2 =	smul.u32 $0x204, s2;
	v4 =	vld.idx.msk [tilespmem:v0+s28+$0x40 ss:$0x1], $0xffff;
	s31 =	sxor.u32 $0x40, s30  }
0x68: {  	s27 =	sand.u32 $0x78, s27;
	v5 =	vld.idx.msk [tilespmem:v0+s28+$0x0 ss:$0x1], $0xffff;
	s31 =	smul.u32 $0x204, s31  }
0x69: {  	s0 =	sand.u32 $0x78, s0;
	s30 =	smul.u32 $0x204, s30;
	v1 =	vld.idx.msk [tilespmem:v0+s28+$0x10 ss:$0x1], $0xffff  }
0x6a: {  	s27 =	smul.u32 $0x204, s27;
	v2 =	vld.idx.msk [tilespmem:v0+s28+$0x20 ss:$0x1], $0xffff;
	s31 =	sshrl.u32 s31, $0x2  }
0x6b: {  	s6 =	sand.u32 $0x7F, s29;
	s0 =	smul.u32 $0x204, s0;
	v3 =	vld.idx.msk [tilespmem:v0+s28+$0x30 ss:$0x1], $0xffff;
	s28 =	sadd.s32 s31, s23  }
.Ltmp5:
0x6c: {  	s29 =	sshrl.u32 s30, $0x2;
	s28 =	sadd.s32 s6, s28;
	(pc) =	sbr.rel @p0 .LBB1_5-.Ltmp5, $4  }
0x6d: {  	s0 =	sshrl.u32 s0, $0x2;
	s29 =	sadd.s32 s29, s23;
	s27 =	sshrl.u32 s27, $0x2;
	[tilespmem:s28+$0x0 ss:$0x81] =	vst.msk $0xffff, v4  }
0x6e: {  	s2 =	sshrl.u32 s2, $0x2;
	s0 =	sadd.s32 s0, s23;
	s27 =	sadd.s32 s27, s23  }
0x6f: {  	s2 =	sadd.s32 s2, s23;
	s28 =	sadd.s32 s6, s29;
	s29 =	sadd.s32 s6, s27  }
0x70: {  	s25 =	sadd.s32 $0x8, s25;
	s27 =	sadd.s32 s6, s2;
	[tilespmem:s28+$0x0 ss:$0x81] =	vst.msk $0xffff, v5;
	s28 =	sadd.s32 s6, s0  }
.LBB1_6:
0x71: {  	s22 =	sadd.s32 $0x1, s22  }
0x72: {  	p0 =	sne.s32 s22, s17  }
.Ltmp6:
0x73: {  	_ = 	snop;
	(pc) =	sbr.rel @p0 .LBB1_4-.Ltmp6, $4  }
.Ltmp7:
0x74: {  	_ = 	snop;
	(pc) =	sbr.rel @!p0 .LBB1_7-.Ltmp7, $4  }
0x75: {  	[tilespmem:s29+$0x0 ss:$0x81] =	vst.msk $0xffff, v1  }
0x76: {  	[tilespmem:s28+$0x0 ss:$0x81] =	vst.msk $0xffff, v2  }
0x77: {  	[tilespmem:s27+$0x0 ss:$0x81] =	vst.msk $0xffff, v3  }
0x78: {  	_ = 	snop  }
.LBB1_9:
0x79: {  	_ =	sfence.sel $0x180000  }
0x7a: {  	s0 =	simm.s32 $0x1;
	[bflag:$0x0] =	sbarrier.arrive $0xFFFF  }
0x7b: {  	s31 =	simm.s32 $0x2;
	[sflag:s0] =	ssyncpa.u1 $0x1  }
0x7c: {  	[sflag:s31] =	ssyncpa.u1 $0x1  }
0x7d: {  	_ =	strace $0x90000047  }
0x7e: {  	[bflag:$0x2] =	sbarrier.arrive $0xFFFF  }
0x7f: {  	p0 =	sne.s32 s1, $0x0;
	s0 =	rddreg [dreg:$0x2]  }
0x80: {  	s0 =	sadd.s32 @!p0 $0x100000, s0  }
0x81: {  	[sflag:s0] =	ssyncadd.tile.s32 @!p0 $0x1;
	_ =	shalt  }
.Lfunc_end1:
_tile_overlayer_lowered:
.L_overlay_start_2:
0x82: {  	(tag) =	ssettag $0x2  }
0x83: {  	s0 =	rddreg [dreg:$0x0];
	s2 =	stileid.u32  }
0x84: {  	s1 =	rddreg [dreg:$0x1];
	p0 =	sne.s32 s2, $0x0  }
0x85: {  	s3 =	rddreg [dreg:$0x2];
	[bflag:$0x3] =	sbarrier.arrive $0xFFFF;
	s2 =	simm.s32 @!p0 $0x1C01  }
0x86: {  	[timem:s3], [sflag:s2] =	dma.local @!p0 [hbm:s0], s1  }
0x87: {  	s0 =	simm.s32 @!p0 $0x1  }
0x88: {  	_ =	swait.ge @!p0 [sflag:s0], s1  }
0x89: {  	s1 =	ssub.s32 @!p0 $0x0, s1;
	[sflag:s0] =	ssyncset.done @!p0 $0x0  }
0x8a: {  	[sflag:s0] =	ssyncadd.s32 @!p0 s1  }
0x8b: {  	[bflag:$0x3] =	sbarrier.arrive $0xFFFF  }
0x8c: {  	_ =	shalt  }

</sc_bundles>
